<compile_context>
chip_gen: v7x
topology: tpu7x:2x2x1
jax: 0.10.2.dev20260603
libtpu: 0.0.44.dev20260713+nightly
codegen_flags: <defaults>
</compile_context>

<pallas_src>
import functools

import jax
import jax.numpy as jnp
from jax import lax
from jax.experimental import pallas as pl
from jax.experimental.pallas import tpu as pltpu
from jax.experimental.pallas import tpu_sc as plsc

_F = 26
_CARD = 1000000
_C = 2
_B = 16384
_H = 499968
_TB = 999872
_KW = 500096

_NC = 2
_NS = 16
_L = 16
_NW = _NC * _NS
_BPW = _B // _NW
_NROW = _BPW * _F


def _pack_body(w_hbm, out_hbm, av0, bv0, ov0, av1, bv1, ov1, isem, osem):
    bufs = ((av0, bv0, ov0), (av1, bv1, ov1))

    def in_copies(f, slot):
        a, b, _ = bufs[slot]
        return [
            pltpu.make_async_copy(w_hbm.at[f, 0], a, isem.at[slot, 0]),
            pltpu.make_async_copy(w_hbm.at[f, 1], b, isem.at[slot, 1]),
        ]

    def start_in(f, slot):
        for c in in_copies(f, slot):
            c.start()

    def wait_in(f, slot):
        for c in in_copies(f, slot):
            c.wait()

    def out_copy(f, slot):
        return pltpu.make_async_copy(bufs[slot][2],
                                     out_hbm.at[pl.ds(f * _KW, _KW)],
                                     osem.at[slot])

    def bf16_bits(x):
        return lax.bitcast_convert_type(x, jnp.int32) + 0x8000

    start_in(0, 0)
    start_in(1, 1)

    def step(g, _):
        for slot in (0, 1):
            f = 2 * g + slot
            a, b, o = bufs[slot]

            @pl.when(g >= 1)
            def _():
                out_copy(f - 2, slot).wait()

            wait_in(f, slot)
            for t in range(2):
                o0 = t * (_H // 2)
                ilo = bf16_bits(a[pl.ds(o0, _H // 2)]
                                - b[pl.ds(o0, _H // 2)])
                ihi = bf16_bits(a[pl.ds(_H + o0, _H // 2)]
                                - b[pl.ds(_H + o0, _H // 2)])
                w = lax.bitwise_or(
                    lax.shift_right_logical(ilo, 16),
                    lax.bitwise_and(ihi, jnp.int32(-65536)))
                o[pl.ds(o0, _H // 2)] = lax.bitcast_convert_type(
                    w, jnp.float32)
            it = bf16_bits(a[pl.ds(_TB, 128)] - b[pl.ds(_TB, 128)])
            o[pl.ds(_H, 128)] = lax.bitcast_convert_type(
                lax.shift_right_logical(it, 16), jnp.float32)
            out_copy(f, slot).start()

            @pl.when(f + 2 < _F)
            def _():
                start_in(f + 2, slot)

        return 0

    lax.fori_loop(0, _F // 2, step, 0)
    out_copy(_F - 2, 0).wait()
    out_copy(_F - 1, 1).wait()


def _pack(w_t):
    return pl.pallas_call(
        _pack_body,
        compiler_params=pltpu.CompilerParams(
            vmem_limit_bytes=100 * 1024 * 1024),
        in_specs=[pl.BlockSpec(memory_space=pltpu.MemorySpace.HBM)],
        out_specs=pl.BlockSpec(memory_space=pltpu.MemorySpace.HBM),
        out_shape=jax.ShapeDtypeStruct((_F * _KW,), jnp.float32),
        scratch_shapes=[
            pltpu.VMEM((_CARD,), jnp.float32),
            pltpu.VMEM((_CARD,), jnp.float32),
            pltpu.VMEM((_KW,), jnp.float32),
            pltpu.VMEM((_CARD,), jnp.float32),
            pltpu.VMEM((_CARD,), jnp.float32),
            pltpu.VMEM((_KW,), jnp.float32),
            pltpu.SemaphoreType.DMA((2, 2)),
            pltpu.SemaphoreType.DMA((2,)),
        ],
    )(w_t)


def _sc_body(x_hbm, w_hbm, bias_hbm, out_hbm, ids_v, idx_v, idxw_v, rows_v,
             bias_v, out_v, sem):
    wid = lax.axis_index("s") * _NC + lax.axis_index("c")
    base = wid * _BPW
    pltpu.sync_copy(x_hbm.at[pl.ds(base * _F, _NROW)], ids_v)
    pltpu.sync_copy(bias_hbm, bias_v)

    iota = lax.iota(jnp.int32, _L)
    zeros = jnp.zeros((_L,), jnp.int32)
    ones = zeros + 1

    def build(j, _):
        f = lax.shift_right_logical(j, 5)
        bbase = j * _L - f * _BPW
        b_vec = bbase + iota
        r = plsc.load_gather(ids_v, [b_vec * _F + f])
        in_hi = jnp.logical_and(r >= _H, r < _TB + 64)
        m = jnp.where(r >= _TB + 64, r - _TB + _H,
                      jnp.where(r >= _H, r - _H, r))
        idx_v[pl.ds(j * _L, _L)] = jnp.where(in_hi, ones, zeros)
        idxw_v[pl.ds(j * _L, _L)] = m + _KW * f
        return 0

    lax.fori_loop(0, _NROW // _L, build, 0)

    pltpu.async_copy(w_hbm.at[idxw_v], rows_v, sem).wait()

    dbias = plsc.load_gather(bias_v, [zeros]) - plsc.load_gather(bias_v, [ones])
    himask = jnp.full((_L,), -65536, jnp.int32)

    def chunk(i, _):
        off = i * _L
        acc = jnp.zeros((_L,), jnp.float32)
        for f in range(_F):
            pos = pl.ds(f * _BPW + off, _L)
            xi = plsc.bitcast(rows_v[pos], jnp.int32)
            d = jnp.where(idx_v[pos] == 1,
                          plsc.bitcast(lax.bitwise_and(xi, himask),
                                       jnp.float32),
                          plsc.bitcast(lax.shift_left(xi, 16), jnp.float32))
            acc = acc + d
        x = acc + dbias
        p0 = 1.0 / (1.0 + jnp.exp(-x))
        p1 = 1.0 / (1.0 + jnp.exp(x))
        e2 = (off + iota) * 2
        plsc.store_scatter(out_v, [e2], p0)
        plsc.store_scatter(out_v, [e2 + 1], p1)
        return 0

    lax.fori_loop(0, _BPW // _L, chunk, 0)

    pltpu.sync_copy(out_v, out_hbm.at[pl.ds(base * _C, _BPW * _C)])


@functools.partial(
    pl.kernel,
    compiler_params=pltpu.CompilerParams(use_tc_tiling_on_sc=False,
                                         needs_layout_passes=False),
    out_type=jax.ShapeDtypeStruct((_B * _C,), jnp.float32),
    mesh=plsc.VectorSubcoreMesh(core_axis_name="c", subcore_axis_name="s",
                                num_cores=_NC, num_subcores=_NS),
    scratch_types=[
        pltpu.VMEM((_NROW,), jnp.int32),
        pltpu.VMEM((_NROW,), jnp.int32),
        pltpu.VMEM((_NROW,), jnp.int32),
        pltpu.VMEM((_NROW,), jnp.float32),
        pltpu.VMEM((_L,), jnp.float32),
        pltpu.VMEM((_BPW * _C,), jnp.float32),
        pltpu.SemaphoreType.DMA,
    ],
)
def _wide_linear_sc(x_hbm, w_hbm, bias_hbm, out_hbm, *scratch):
    _sc_body(x_hbm, w_hbm, bias_hbm, out_hbm, *scratch)


def kernel(x_ids, W, bias):
    x32 = x_ids.astype(jnp.int32).reshape(_B * _F)
    w_t = jnp.transpose(W, (0, 2, 1))
    packed = _pack(w_t)
    bias16 = jnp.zeros((_L,), jnp.float32).at[:_C].set(bias.astype(jnp.float32))
    out = _wide_linear_sc(x32, packed, bias16)
    return out.reshape(_B, _C)

# --- scband reference (transcript-rebuilt; emitter-appended) ---
"""Pipeline reference for scband-wide-linear-layer-25331717111831 (READ-ONLY COPY).

The authoritative reference and input builder live on the scoring server;
editing this copy changes nothing except your own understanding.
"""

import jax, jax.numpy as jnp
import numpy as np

NUM_FIELDS = 26
CARD = 1000000
NUM_CLASSES = 2
BATCH = 16384

def setup_inputs(seed: int = 0) -> dict:
    key = jax.random.key(seed)
    k_ids, k_w = jax.random.split(key)
    x_ids = jax.random.randint(k_ids, (BATCH, NUM_FIELDS), 0, CARD, dtype=jnp.int64 if jax.config.jax_enable_x64 else jnp.int32)
    # Xavier-normal init per table: std = sqrt(2 / (card + num_classes))
    std = np.sqrt(2.0 / (CARD + NUM_CLASSES)).astype(np.float32)
    W = jax.random.normal(k_w, (NUM_FIELDS, CARD, NUM_CLASSES), dtype=jnp.float32) * std
    bias = jnp.zeros((NUM_CLASSES,), dtype=jnp.float32)
    return {"x_ids": x_ids, "W": W, "bias": bias}

def reference(x_ids, W, bias):
    # per-(field) embedding lookup: gathered[f, b, :] = W[f, x_ids[b, f], :]
    field_idx = jnp.arange(NUM_FIELDS)[:, None]            # [F, 1]
    gathered = W[field_idx, x_ids.T]                       # [F, B, C]
    logits = gathered.sum(axis=0) + bias                   # [B, C]
    return jax.nn.softmax(logits, axis=-1)

if __name__ == "__main__":
    import jax
    _d = setup_inputs()
    print(jax.jit(kernel)(*tuple(_d.values())))

</pallas_src>

<mosaic_0001>
#map = affine_map<(d0, d1) -> (0)>
module attributes {stable_mosaic.version = 14 : i64} {
  func.func @_wide_linear_sc(%arg0: i32, %arg1: i32, %arg2: memref<425984xi32, #tpu.memory_space<hbm>>, %arg3: memref<13002496xf32, #tpu.memory_space<hbm>>, %arg4: memref<16xf32, #tpu.memory_space<hbm>>, %arg5: memref<32768xf32, #tpu.memory_space<hbm>>, %arg6: memref<13312xi32, #tpu.memory_space<vmem>>, %arg7: memref<13312xi32, #tpu.memory_space<vmem>>, %arg8: memref<13312xi32, #tpu.memory_space<vmem>>, %arg9: memref<13312xf32, #tpu.memory_space<vmem>>, %arg10: memref<16xf32, #tpu.memory_space<vmem>>, %arg11: memref<1024xf32, #tpu.memory_space<vmem>>, %arg12: memref<!tpu.dma_semaphore, #tpu.memory_space<semaphore_mem>>) attributes {dimension_semantics = [#tpu.dimension_semantics<core_parallel>, #tpu.dimension_semantics<subcore_parallel>], iteration_bounds = array<i64: 2, 16>, scalar_prefetch = 0 : i64, scratch_operands = 7 : i64, tpu.core_type = #tpu.core_type<sc_vector_subcore>, window_params = [{transform_indices = #map}, {transform_indices = #map}, {transform_indices = #map}, {transform_indices = #map}]} {
    %mul3A = arith.constant 2 : i32
    %mul3A_0 = arith.muli %arg1, %mul3A : i32
    %add3A = arith.addi %mul3A_0, %arg0 : i32
    %mul3A_1 = arith.constant 512 : i32
    %mul3A_2 = arith.muli %add3A, %mul3A_1 : i32
    %mul3A_3 = arith.constant 26 : i32
    %mul3A_4 = arith.muli %mul3A_2, %mul3A_3 : i32
    "tpu.region"() ({
      %run_scoped3A = tpu.sem_alloc : memref<!tpu.dma_semaphore, #tpu.memory_space<semaphore_mem>>
      %dma_start3A_29 = tpu.memref_slice %arg2[%mul3A_4] : memref<425984xi32, #tpu.memory_space<hbm>> -> memref<13312xi32, #tpu.memory_space<hbm>>
      %dma_start3A_30 = tpu.memref_slice %arg2[%mul3A_4] : memref<425984xi32, #tpu.memory_space<hbm>> -> memref<13312xi32, #tpu.memory_space<hbm>>
      tpu.enqueue_dma source(%dma_start3A_30 : memref<13312xi32, #tpu.memory_space<hbm>>) target(%arg6 : memref<13312xi32, #tpu.memory_space<vmem>>) target_semaphore(%run_scoped3A : memref<!tpu.dma_semaphore, #tpu.memory_space<semaphore_mem>>)
      %dma_wait3A_31 = tpu.memref_slice %arg2[%mul3A_4] : memref<425984xi32, #tpu.memory_space<hbm>> -> memref<13312xi32, #tpu.memory_space<hbm>>
      %dma_wait3A_32 = tpu.memref_slice %arg2[%mul3A_4] : memref<425984xi32, #tpu.memory_space<hbm>> -> memref<13312xi32, #tpu.memory_space<hbm>>
      tpu.wait_dma2 semaphore(%run_scoped3A : memref<!tpu.dma_semaphore, #tpu.memory_space<semaphore_mem>>) src(%dma_wait3A_32 : memref<13312xi32, #tpu.memory_space<hbm>>) dst(%arg6 : memref<13312xi32, #tpu.memory_space<vmem>>)
      tpu.yield
    }) : () -> ()
    "tpu.region"() ({
      %run_scoped3A = tpu.sem_alloc : memref<!tpu.dma_semaphore, #tpu.memory_space<semaphore_mem>>
      tpu.enqueue_dma source(%arg4 : memref<16xf32, #tpu.memory_space<hbm>>) target(%arg10 : memref<16xf32, #tpu.memory_space<vmem>>) target_semaphore(%run_scoped3A : memref<!tpu.dma_semaphore, #tpu.memory_space<semaphore_mem>>)
      tpu.wait_dma2 semaphore(%run_scoped3A : memref<!tpu.dma_semaphore, #tpu.memory_space<semaphore_mem>>) src(%arg4 : memref<16xf32, #tpu.memory_space<hbm>>) dst(%arg10 : memref<16xf32, #tpu.memory_space<vmem>>)
      tpu.yield
    }) : () -> ()
    %iota3A = tpu.iota {dimensions = array<i32: 0>} : vector<16xi32>
    %broadcast_in_dim3A = arith.constant 0 : i32
    %broadcast_in_dim3A_5 = vector.broadcast %broadcast_in_dim3A : i32 to vector<16xi32>
    %add3A_6 = arith.constant 1 : i32
    %add3A_7 = vector.broadcast %add3A_6 : i32 to vector<16xi32>
    %add3A_8 = arith.addi %broadcast_in_dim3A_5, %add3A_7 : vector<16xi32>
    %scan3A = arith.constant 0 : i32
    %scan3A_9 = arith.constant 0 : i32
    %scan3A_10 = arith.constant 832 : i32
    %scan3A_11 = arith.addi %scan3A_9, %scan3A_10 : i32
    %scan3A_12 = arith.constant 1 : i32
    %scan3A_13 = scf.for %scan3A_29 = %scan3A_9 to %scan3A_11 step %scan3A_12 iter_args(%scan3A_30 = %scan3A) -> (i32)  : i32 {
      %shift_right_logical3A = arith.constant 5 : i32
      %shift_right_logical3A_31 = arith.shrui %scan3A_29, %shift_right_logical3A : i32
      %mul3A_32 = arith.constant 16 : i32
      %mul3A_33 = arith.muli %scan3A_29, %mul3A_32 : i32
      %mul3A_34 = arith.constant 512 : i32
      %mul3A_35 = arith.muli %shift_right_logical3A_31, %mul3A_34 : i32
      %sub3A_36 = arith.subi %mul3A_33, %mul3A_35 : i32
      %add3A_37 = vector.broadcast %sub3A_36 : i32 to vector<16xi32>
      %add3A_38 = arith.addi %add3A_37, %iota3A : vector<16xi32>
      %mul3A_39 = arith.constant 26 : i32
      %mul3A_40 = vector.broadcast %mul3A_39 : i32 to vector<16xi32>
      %mul3A_41 = arith.muli %add3A_38, %mul3A_40 : vector<16xi32>
      %add3A_42 = vector.broadcast %shift_right_logical3A_31 : i32 to vector<16xi32>
      %add3A_43 = arith.addi %mul3A_41, %add3A_42 : vector<16xi32>
      %gather3A_44 = tpu.vector_load_idx %arg6[%add3A_43] : memref<13312xi32, #tpu.memory_space<vmem>>[vector<16xi32>], vector<16xi32>,
      %ge3A = arith.constant 499968 : i32
      %ge3A_45 = vector.broadcast %ge3A : i32 to vector<16xi32>
      %ge3A_46 = arith.cmpi sge, %gather3A_44, %ge3A_45 : vector<16xi32>
      %lt3A = arith.constant 999936 : i32
      %lt3A_47 = vector.broadcast %lt3A : i32 to vector<16xi32>
      %lt3A_48 = arith.cmpi slt, %gather3A_44, %lt3A_47 : vector<16xi32>
      %and3A = arith.andi %ge3A_46, %lt3A_48 : vector<16xi1>
      %ge3A_49 = arith.constant 999936 : i32
      %ge3A_50 = vector.broadcast %ge3A_49 : i32 to vector<16xi32>
      %ge3A_51 = arith.cmpi sge, %gather3A_44, %ge3A_50 : vector<16xi32>
      %sub3A_52 = arith.constant 999872 : i32
      %sub3A_53 = vector.broadcast %sub3A_52 : i32 to vector<16xi32>
      %sub3A_54 = arith.subi %gather3A_44, %sub3A_53 : vector<16xi32>
      %add3A_55 = arith.constant 499968 : i32
      %add3A_56 = vector.broadcast %add3A_55 : i32 to vector<16xi32>
      %add3A_57 = arith.addi %sub3A_54, %add3A_56 : vector<16xi32>
      %ge3A_58 = arith.constant 499968 : i32
      %ge3A_59 = vector.broadcast %ge3A_58 : i32 to vector<16xi32>
      %ge3A_60 = arith.cmpi sge, %gather3A_44, %ge3A_59 : vector<16xi32>
      %sub3A_61 = arith.constant 499968 : i32
      %sub3A_62 = vector.broadcast %sub3A_61 : i32 to vector<16xi32>
      %sub3A_63 = arith.subi %gather3A_44, %sub3A_62 : vector<16xi32>
      %select_n3A = arith.select %ge3A_60, %sub3A_63, %gather3A_44 : vector<16xi1>, vector<16xi32>
      %select_n3A_64 = arith.select %ge3A_51, %add3A_57, %select_n3A : vector<16xi1>, vector<16xi32>
      %select_n3A_65 = arith.select %and3A, %add3A_8, %broadcast_in_dim3A_5 : vector<16xi1>, vector<16xi32>
      %mul3A_66 = arith.constant 16 : i32
      %mul3A_67 = arith.muli %scan3A_29, %mul3A_66 : i32
      %swap3A = arith.index_cast %mul3A_67 : i32 to index
      %swap3A_68 = tpu.vector_load %arg7[%swap3A] {strides = array<i32>} : memref<13312xi32, #tpu.memory_space<vmem>>, vector<16xi32>,
      tpu.vector_store %arg7[%swap3A], %select_n3A_65 {strides = array<i32>} : memref<13312xi32, #tpu.memory_space<vmem>>, vector<16xi32>,
      %mul3A_69 = arith.constant 500096 : i32
      %mul3A_70 = arith.muli %mul3A_69, %shift_right_logical3A_31 : i32
      %add3A_71 = vector.broadcast %mul3A_70 : i32 to vector<16xi32>
      %add3A_72 = arith.addi %select_n3A_64, %add3A_71 : vector<16xi32>
      %mul3A_73 = arith.constant 16 : i32
      %mul3A_74 = arith.muli %scan3A_29, %mul3A_73 : i32
      %swap3A_75 = arith.index_cast %mul3A_74 : i32 to index
      %swap3A_76 = tpu.vector_load %arg8[%swap3A_75] {strides = array<i32>} : memref<13312xi32, #tpu.memory_space<vmem>>, vector<16xi32>,
      tpu.vector_store %arg8[%swap3A_75], %add3A_72 {strides = array<i32>} : memref<13312xi32, #tpu.memory_space<vmem>>, vector<16xi32>,
      %scan3A_77 = arith.constant 0 : i32
      scf.yield %scan3A_77 : i32
    }
    %scan3A_14 = arith.constant 832 : i32
    %dma_start3A = arith.constant 0 : i32
    %dma_start3A_15 = tpu.memref_slice %arg3[%dma_start3A] : memref<13002496xf32, #tpu.memory_space<hbm>> -> memref<13002496xf32, #tpu.memory_space<hbm>>
    tpu.enqueue_indirect_dma source(%dma_start3A_15 : memref<13002496xf32, #tpu.memory_space<hbm>>) target(%arg9 : memref<13312xf32, #tpu.memory_space<vmem>>) offsets(%arg8 : memref<13312xi32, #tpu.memory_space<vmem>>) semaphore(%arg12 : memref<!tpu.dma_semaphore, #tpu.memory_space<semaphore_mem>>)
    %dma_wait3A = arith.constant 0 : i32
    %dma_wait3A_16 = tpu.memref_slice %arg3[%dma_wait3A] : memref<13002496xf32, #tpu.memory_space<hbm>> -> memref<13002496xf32, #tpu.memory_space<hbm>>
    tpu.wait_indirect_dma semaphore(%arg12 : memref<!tpu.dma_semaphore, #tpu.memory_space<semaphore_mem>>) src(%dma_wait3A_16 : memref<13002496xf32, #tpu.memory_space<hbm>>) dst(%arg9 : memref<13312xf32, #tpu.memory_space<vmem>>)
    %gather3A = tpu.vector_load_idx %arg10[%broadcast_in_dim3A_5] : memref<16xf32, #tpu.memory_space<vmem>>[vector<16xi32>], vector<16xf32>,
    %gather3A_17 = tpu.vector_load_idx %arg10[%add3A_8] : memref<16xf32, #tpu.memory_space<vmem>>[vector<16xi32>], vector<16xf32>,
    %sub3A = arith.subf %gather3A, %gather3A_17 : vector<16xf32>
    %broadcast_in_dim3A_18 = arith.constant -65536 : i32
    %broadcast_in_dim3A_19 = vector.broadcast %broadcast_in_dim3A_18 : i32 to vector<16xi32>
    %scan3A_20 = arith.constant 0 : i32
    %scan3A_21 = arith.constant 0 : i32
    %scan3A_22 = arith.constant 32 : i32
    %scan3A_23 = arith.addi %scan3A_21, %scan3A_22 : i32
    %scan3A_24 = arith.constant 1 : i32
    %scan3A_25 = scf.for %scan3A_29 = %scan3A_21 to %scan3A_23 step %scan3A_24 iter_args(%scan3A_30 = %scan3A_20) -> (i32)  : i32 {
      %mul3A_31 = arith.constant 16 : i32
      %mul3A_32 = arith.muli %scan3A_29, %mul3A_31 : i32
      %broadcast_in_dim3A_33 = arith.constant 0.000000e+00 : f32
      %broadcast_in_dim3A_34 = vector.broadcast %broadcast_in_dim3A_33 : f32 to vector<16xf32>
      %add3A_35 = arith.constant 0 : i32
      %add3A_36 = arith.addi %add3A_35, %mul3A_32 : i32
      %get3A = arith.index_cast %add3A_36 : i32 to index
      %get3A_37 = tpu.vector_load %arg9[%get3A] {strides = array<i32>} : memref<13312xf32, #tpu.memory_space<vmem>>, vector<16xf32>,
      %bitcast3A = vector.bitcast %get3A_37 : vector<16xf32> to vector<16xi32>
      %get3A_38 = arith.index_cast %add3A_36 : i32 to index
      %get3A_39 = tpu.vector_load %arg7[%get3A_38] {strides = array<i32>} : memref<13312xi32, #tpu.memory_space<vmem>>, vector<16xi32>,
      %eq3A = arith.constant 1 : i32
      %eq3A_40 = vector.broadcast %eq3A : i32 to vector<16xi32>
      %eq3A_41 = arith.cmpi eq, %get3A_39, %eq3A_40 : vector<16xi32>
      %and3A = arith.andi %bitcast3A, %broadcast_in_dim3A_19 : vector<16xi32>
      %bitcast3A_42 = vector.bitcast %and3A : vector<16xi32> to vector<16xf32>
      %shift_left3A = arith.constant 16 : i32
      %shift_left3A_43 = vector.broadcast %shift_left3A : i32 to vector<16xi32>
      %shift_left3A_44 = arith.shli %bitcast3A, %shift_left3A_43 : vector<16xi32>
      %bitcast3A_45 = vector.bitcast %shift_left3A_44 : vector<16xi32> to vector<16xf32>
      %select_n3A = arith.select %eq3A_41, %bitcast3A_42, %bitcast3A_45 : vector<16xi1>, vector<16xf32>
      %add3A_46 = arith.addf %broadcast_in_dim3A_34, %select_n3A : vector<16xf32>
      %add3A_47 = arith.constant 512 : i32
      %add3A_48 = arith.addi %add3A_47, %mul3A_32 : i32
      %get3A_49 = arith.index_cast %add3A_48 : i32 to index
      %get3A_50 = tpu.vector_load %arg9[%get3A_49] {strides = array<i32>} : memref<13312xf32, #tpu.memory_space<vmem>>, vector<16xf32>,
      %bitcast3A_51 = vector.bitcast %get3A_50 : vector<16xf32> to vector<16xi32>
      %get3A_52 = arith.index_cast %add3A_48 : i32 to index
      %get3A_53 = tpu.vector_load %arg7[%get3A_52] {strides = array<i32>} : memref<13312xi32, #tpu.memory_space<vmem>>, vector<16xi32>,
      %eq3A_54 = arith.constant 1 : i32
      %eq3A_55 = vector.broadcast %eq3A_54 : i32 to vector<16xi32>
      %eq3A_56 = arith.cmpi eq, %get3A_53, %eq3A_55 : vector<16xi32>
      %and3A_57 = arith.andi %bitcast3A_51, %broadcast_in_dim3A_19 : vector<16xi32>
      %bitcast3A_58 = vector.bitcast %and3A_57 : vector<16xi32> to vector<16xf32>
      %shift_left3A_59 = arith.constant 16 : i32
      %shift_left3A_60 = vector.broadcast %shift_left3A_59 : i32 to vector<16xi32>
      %shift_left3A_61 = arith.shli %bitcast3A_51, %shift_left3A_60 : vector<16xi32>
      %bitcast3A_62 = vector.bitcast %shift_left3A_61 : vector<16xi32> to vector<16xf32>
      %select_n3A_63 = arith.select %eq3A_56, %bitcast3A_58, %bitcast3A_62 : vector<16xi1>, vector<16xf32>
      %add3A_64 = arith.addf %add3A_46, %select_n3A_63 : vector<16xf32>
      %add3A_65 = arith.constant 1024 : i32
      %add3A_66 = arith.addi %add3A_65, %mul3A_32 : i32
      %get3A_67 = arith.index_cast %add3A_66 : i32 to index
      %get3A_68 = tpu.vector_load %arg9[%get3A_67] {strides = array<i32>} : memref<13312xf32, #tpu.memory_space<vmem>>, vector<16xf32>,
      %bitcast3A_69 = vector.bitcast %get3A_68 : vector<16xf32> to vector<16xi32>
      %get3A_70 = arith.index_cast %add3A_66 : i32 to index
      %get3A_71 = tpu.vector_load %arg7[%get3A_70] {strides = array<i32>} : memref<13312xi32, #tpu.memory_space<vmem>>, vector<16xi32>,
      %eq3A_72 = arith.constant 1 : i32
      %eq3A_73 = vector.broadcast %eq3A_72 : i32 to vector<16xi32>
      %eq3A_74 = arith.cmpi eq, %get3A_71, %eq3A_73 : vector<16xi32>
      %and3A_75 = arith.andi %bitcast3A_69, %broadcast_in_dim3A_19 : vector<16xi32>
      %bitcast3A_76 = vector.bitcast %and3A_75 : vector<16xi32> to vector<16xf32>
      %shift_left3A_77 = arith.constant 16 : i32
      %shift_left3A_78 = vector.broadcast %shift_left3A_77 : i32 to vector<16xi32>
      %shift_left3A_79 = arith.shli %bitcast3A_69, %shift_left3A_78 : vector<16xi32>
      %bitcast3A_80 = vector.bitcast %shift_left3A_79 : vector<16xi32> to vector<16xf32>
      %select_n3A_81 = arith.select %eq3A_74, %bitcast3A_76, %bitcast3A_80 : vector<16xi1>, vector<16xf32>
      %add3A_82 = arith.addf %add3A_64, %select_n3A_81 : vector<16xf32>
      %add3A_83 = arith.constant 1536 : i32
      %add3A_84 = arith.addi %add3A_83, %mul3A_32 : i32
      %get3A_85 = arith.index_cast %add3A_84 : i32 to index
      %get3A_86 = tpu.vector_load %arg9[%get3A_85] {strides = array<i32>} : memref<13312xf32, #tpu.memory_space<vmem>>, vector<16xf32>,
      %bitcast3A_87 = vector.bitcast %get3A_86 : vector<16xf32> to vector<16xi32>
      %get3A_88 = arith.index_cast %add3A_84 : i32 to index
      %get3A_89 = tpu.vector_load %arg7[%get3A_88] {strides = array<i32>} : memref<13312xi32, #tpu.memory_space<vmem>>, vector<16xi32>,
      %eq3A_90 = arith.constant 1 : i32
      %eq3A_91 = vector.broadcast %eq3A_90 : i32 to vector<16xi32>
      %eq3A_92 = arith.cmpi eq, %get3A_89, %eq3A_91 : vector<16xi32>
      %and3A_93 = arith.andi %bitcast3A_87, %broadcast_in_dim3A_19 : vector<16xi32>
      %bitcast3A_94 = vector.bitcast %and3A_93 : vector<16xi32> to vector<16xf32>
      %shift_left3A_95 = arith.constant 16 : i32
      %shift_left3A_96 = vector.broadcast %shift_left3A_95 : i32 to vector<16xi32>
      %shift_left3A_97 = arith.shli %bitcast3A_87, %shift_left3A_96 : vector<16xi32>
      %bitcast3A_98 = vector.bitcast %shift_left3A_97 : vector<16xi32> to vector<16xf32>
      %select_n3A_99 = arith.select %eq3A_92, %bitcast3A_94, %bitcast3A_98 : vector<16xi1>, vector<16xf32>
      %add3A_100 = arith.addf %add3A_82, %select_n3A_99 : vector<16xf32>
      %add3A_101 = arith.constant 2048 : i32
      %add3A_102 = arith.addi %add3A_101, %mul3A_32 : i32
      %get3A_103 = arith.index_cast %add3A_102 : i32 to index
      %get3A_104 = tpu.vector_load %arg9[%get3A_103] {strides = array<i32>} : memref<13312xf32, #tpu.memory_space<vmem>>, vector<16xf32>,
      %bitcast3A_105 = vector.bitcast %get3A_104 : vector<16xf32> to vector<16xi32>
      %get3A_106 = arith.index_cast %add3A_102 : i32 to index
      %get3A_107 = tpu.vector_load %arg7[%get3A_106] {strides = array<i32>} : memref<13312xi32, #tpu.memory_space<vmem>>, vector<16xi32>,
      %eq3A_108 = arith.constant 1 : i32
      %eq3A_109 = vector.broadcast %eq3A_108 : i32 to vector<16xi32>
      %eq3A_110 = arith.cmpi eq, %get3A_107, %eq3A_109 : vector<16xi32>
      %and3A_111 = arith.andi %bitcast3A_105, %broadcast_in_dim3A_19 : vector<16xi32>
      %bitcast3A_112 = vector.bitcast %and3A_111 : vector<16xi32> to vector<16xf32>
      %shift_left3A_113 = arith.constant 16 : i32
      %shift_left3A_114 = vector.broadcast %shift_left3A_113 : i32 to vector<16xi32>
      %shift_left3A_115 = arith.shli %bitcast3A_105, %shift_left3A_114 : vector<16xi32>
      %bitcast3A_116 = vector.bitcast %shift_left3A_115 : vector<16xi32> to vector<16xf32>
      %select_n3A_117 = arith.select %eq3A_110, %bitcast3A_112, %bitcast3A_116 : vector<16xi1>, vector<16xf32>
      %add3A_118 = arith.addf %add3A_100, %select_n3A_117 : vector<16xf32>
      %add3A_119 = arith.constant 2560 : i32
      %add3A_120 = arith.addi %add3A_119, %mul3A_32 : i32
      %get3A_121 = arith.index_cast %add3A_120 : i32 to index
      %get3A_122 = tpu.vector_load %arg9[%get3A_121] {strides = array<i32>} : memref<13312xf32, #tpu.memory_space<vmem>>, vector<16xf32>,
      %bitcast3A_123 = vector.bitcast %get3A_122 : vector<16xf32> to vector<16xi32>
      %get3A_124 = arith.index_cast %add3A_120 : i32 to index
      %get3A_125 = tpu.vector_load %arg7[%get3A_124] {strides = array<i32>} : memref<13312xi32, #tpu.memory_space<vmem>>, vector<16xi32>,
      %eq3A_126 = arith.constant 1 : i32
      %eq3A_127 = vector.broadcast %eq3A_126 : i32 to vector<16xi32>
      %eq3A_128 = arith.cmpi eq, %get3A_125, %eq3A_127 : vector<16xi32>
      %and3A_129 = arith.andi %bitcast3A_123, %broadcast_in_dim3A_19 : vector<16xi32>
      %bitcast3A_130 = vector.bitcast %and3A_129 : vector<16xi32> to vector<16xf32>
      %shift_left3A_131 = arith.constant 16 : i32
      %shift_left3A_132 = vector.broadcast %shift_left3A_131 : i32 to vector<16xi32>
      %shift_left3A_133 = arith.shli %bitcast3A_123, %shift_left3A_132 : vector<16xi32>
      %bitcast3A_134 = vector.bitcast %shift_left3A_133 : vector<16xi32> to vector<16xf32>
      %select_n3A_135 = arith.select %eq3A_128, %bitcast3A_130, %bitcast3A_134 : vector<16xi1>, vector<16xf32>
      %add3A_136 = arith.addf %add3A_118, %select_n3A_135 : vector<16xf32>
      %add3A_137 = arith.constant 3072 : i32
      %add3A_138 = arith.addi %add3A_137, %mul3A_32 : i32
      %get3A_139 = arith.index_cast %add3A_138 : i32 to index
      %get3A_140 = tpu.vector_load %arg9[%get3A_139] {strides = array<i32>} : memref<13312xf32, #tpu.memory_space<vmem>>, vector<16xf32>,
      %bitcast3A_141 = vector.bitcast %get3A_140 : vector<16xf32> to vector<16xi32>
      %get3A_142 = arith.index_cast %add3A_138 : i32 to index
      %get3A_143 = tpu.vector_load %arg7[%get3A_142] {strides = array<i32>} : memref<13312xi32, #tpu.memory_space<vmem>>, vector<16xi32>,
      %eq3A_144 = arith.constant 1 : i32
      %eq3A_145 = vector.broadcast %eq3A_144 : i32 to vector<16xi32>
      %eq3A_146 = arith.cmpi eq, %get3A_143, %eq3A_145 : vector<16xi32>
      %and3A_147 = arith.andi %bitcast3A_141, %broadcast_in_dim3A_19 : vector<16xi32>
      %bitcast3A_148 = vector.bitcast %and3A_147 : vector<16xi32> to vector<16xf32>
      %shift_left3A_149 = arith.constant 16 : i32
      %shift_left3A_150 = vector.broadcast %shift_left3A_149 : i32 to vector<16xi32>
      %shift_left3A_151 = arith.shli %bitcast3A_141, %shift_left3A_150 : vector<16xi32>
      %bitcast3A_152 = vector.bitcast %shift_left3A_151 : vector<16xi32> to vector<16xf32>
      %select_n3A_153 = arith.select %eq3A_146, %bitcast3A_148, %bitcast3A_152 : vector<16xi1>, vector<16xf32>
      %add3A_154 = arith.addf %add3A_136, %select_n3A_153 : vector<16xf32>
      %add3A_155 = arith.constant 3584 : i32
      %add3A_156 = arith.addi %add3A_155, %mul3A_32 : i32
      %get3A_157 = arith.index_cast %add3A_156 : i32 to index
      %get3A_158 = tpu.vector_load %arg9[%get3A_157] {strides = array<i32>} : memref<13312xf32, #tpu.memory_space<vmem>>, vector<16xf32>,
      %bitcast3A_159 = vector.bitcast %get3A_158 : vector<16xf32> to vector<16xi32>
      %get3A_160 = arith.index_cast %add3A_156 : i32 to index
      %get3A_161 = tpu.vector_load %arg7[%get3A_160] {strides = array<i32>} : memref<13312xi32, #tpu.memory_space<vmem>>, vector<16xi32>,
      %eq3A_162 = arith.constant 1 : i32
      %eq3A_163 = vector.broadcast %eq3A_162 : i32 to vector<16xi32>
      %eq3A_164 = arith.cmpi eq, %get3A_161, %eq3A_163 : vector<16xi32>
      %and3A_165 = arith.andi %bitcast3A_159, %broadcast_in_dim3A_19 : vector<16xi32>
      %bitcast3A_166 = vector.bitcast %and3A_165 : vector<16xi32> to vector<16xf32>
      %shift_left3A_167 = arith.constant 16 : i32
      %shift_left3A_168 = vector.broadcast %shift_left3A_167 : i32 to vector<16xi32>
      %shift_left3A_169 = arith.shli %bitcast3A_159, %shift_left3A_168 : vector<16xi32>
      %bitcast3A_170 = vector.bitcast %shift_left3A_169 : vector<16xi32> to vector<16xf32>
      %select_n3A_171 = arith.select %eq3A_164, %bitcast3A_166, %bitcast3A_170 : vector<16xi1>, vector<16xf32>
      %add3A_172 = arith.addf %add3A_154, %select_n3A_171 : vector<16xf32>
      %add3A_173 = arith.constant 4096 : i32
      %add3A_174 = arith.addi %add3A_173, %mul3A_32 : i32
      %get3A_175 = arith.index_cast %add3A_174 : i32 to index
      %get3A_176 = tpu.vector_load %arg9[%get3A_175] {strides = array<i32>} : memref<13312xf32, #tpu.memory_space<vmem>>, vector<16xf32>,
      %bitcast3A_177 = vector.bitcast %get3A_176 : vector<16xf32> to vector<16xi32>
      %get3A_178 = arith.index_cast %add3A_174 : i32 to index
      %get3A_179 = tpu.vector_load %arg7[%get3A_178] {strides = array<i32>} : memref<13312xi32, #tpu.memory_space<vmem>>, vector<16xi32>,
      %eq3A_180 = arith.constant 1 : i32
      %eq3A_181 = vector.broadcast %eq3A_180 : i32 to vector<16xi32>
      %eq3A_182 = arith.cmpi eq, %get3A_179, %eq3A_181 : vector<16xi32>
      %and3A_183 = arith.andi %bitcast3A_177, %broadcast_in_dim3A_19 : vector<16xi32>
      %bitcast3A_184 = vector.bitcast %and3A_183 : vector<16xi32> to vector<16xf32>
      %shift_left3A_185 = arith.constant 16 : i32
      %shift_left3A_186 = vector.broadcast %shift_left3A_185 : i32 to vector<16xi32>
      %shift_left3A_187 = arith.shli %bitcast3A_177, %shift_left3A_186 : vector<16xi32>
      %bitcast3A_188 = vector.bitcast %shift_left3A_187 : vector<16xi32> to vector<16xf32>
      %select_n3A_189 = arith.select %eq3A_182, %bitcast3A_184, %bitcast3A_188 : vector<16xi1>, vector<16xf32>
      %add3A_190 = arith.addf %add3A_172, %select_n3A_189 : vector<16xf32>
      %add3A_191 = arith.constant 4608 : i32
      %add3A_192 = arith.addi %add3A_191, %mul3A_32 : i32
      %get3A_193 = arith.index_cast %add3A_192 : i32 to index
      %get3A_194 = tpu.vector_load %arg9[%get3A_193] {strides = array<i32>} : memref<13312xf32, #tpu.memory_space<vmem>>, vector<16xf32>,
      %bitcast3A_195 = vector.bitcast %get3A_194 : vector<16xf32> to vector<16xi32>
      %get3A_196 = arith.index_cast %add3A_192 : i32 to index
      %get3A_197 = tpu.vector_load %arg7[%get3A_196] {strides = array<i32>} : memref<13312xi32, #tpu.memory_space<vmem>>, vector<16xi32>,
      %eq3A_198 = arith.constant 1 : i32
      %eq3A_199 = vector.broadcast %eq3A_198 : i32 to vector<16xi32>
      %eq3A_200 = arith.cmpi eq, %get3A_197, %eq3A_199 : vector<16xi32>
      %and3A_201 = arith.andi %bitcast3A_195, %broadcast_in_dim3A_19 : vector<16xi32>
      %bitcast3A_202 = vector.bitcast %and3A_201 : vector<16xi32> to vector<16xf32>
      %shift_left3A_203 = arith.constant 16 : i32
      %shift_left3A_204 = vector.broadcast %shift_left3A_203 : i32 to vector<16xi32>
      %shift_left3A_205 = arith.shli %bitcast3A_195, %shift_left3A_204 : vector<16xi32>
      %bitcast3A_206 = vector.bitcast %shift_left3A_205 : vector<16xi32> to vector<16xf32>
      %select_n3A_207 = arith.select %eq3A_200, %bitcast3A_202, %bitcast3A_206 : vector<16xi1>, vector<16xf32>
      %add3A_208 = arith.addf %add3A_190, %select_n3A_207 : vector<16xf32>
      %add3A_209 = arith.constant 5120 : i32
      %add3A_210 = arith.addi %add3A_209, %mul3A_32 : i32
      %get3A_211 = arith.index_cast %add3A_210 : i32 to index
      %get3A_212 = tpu.vector_load %arg9[%get3A_211] {strides = array<i32>} : memref<13312xf32, #tpu.memory_space<vmem>>, vector<16xf32>,
      %bitcast3A_213 = vector.bitcast %get3A_212 : vector<16xf32> to vector<16xi32>
      %get3A_214 = arith.index_cast %add3A_210 : i32 to index
      %get3A_215 = tpu.vector_load %arg7[%get3A_214] {strides = array<i32>} : memref<13312xi32, #tpu.memory_space<vmem>>, vector<16xi32>,
      %eq3A_216 = arith.constant 1 : i32
      %eq3A_217 = vector.broadcast %eq3A_216 : i32 to vector<16xi32>
      %eq3A_218 = arith.cmpi eq, %get3A_215, %eq3A_217 : vector<16xi32>
      %and3A_219 = arith.andi %bitcast3A_213, %broadcast_in_dim3A_19 : vector<16xi32>
      %bitcast3A_220 = vector.bitcast %and3A_219 : vector<16xi32> to vector<16xf32>
      %shift_left3A_221 = arith.constant 16 : i32
      %shift_left3A_222 = vector.broadcast %shift_left3A_221 : i32 to vector<16xi32>
      %shift_left3A_223 = arith.shli %bitcast3A_213, %shift_left3A_222 : vector<16xi32>
      %bitcast3A_224 = vector.bitcast %shift_left3A_223 : vector<16xi32> to vector<16xf32>
      %select_n3A_225 = arith.select %eq3A_218, %bitcast3A_220, %bitcast3A_224 : vector<16xi1>, vector<16xf32>
      %add3A_226 = arith.addf %add3A_208, %select_n3A_225 : vector<16xf32>
      %add3A_227 = arith.constant 5632 : i32
      %add3A_228 = arith.addi %add3A_227, %mul3A_32 : i32
      %get3A_229 = arith.index_cast %add3A_228 : i32 to index
      %get3A_230 = tpu.vector_load %arg9[%get3A_229] {strides = array<i32>} : memref<13312xf32, #tpu.memory_space<vmem>>, vector<16xf32>,
      %bitcast3A_231 = vector.bitcast %get3A_230 : vector<16xf32> to vector<16xi32>
      %get3A_232 = arith.index_cast %add3A_228 : i32 to index
      %get3A_233 = tpu.vector_load %arg7[%get3A_232] {strides = array<i32>} : memref<13312xi32, #tpu.memory_space<vmem>>, vector<16xi32>,
      %eq3A_234 = arith.constant 1 : i32
      %eq3A_235 = vector.broadcast %eq3A_234 : i32 to vector<16xi32>
      %eq3A_236 = arith.cmpi eq, %get3A_233, %eq3A_235 : vector<16xi32>
      %and3A_237 = arith.andi %bitcast3A_231, %broadcast_in_dim3A_19 : vector<16xi32>
      %bitcast3A_238 = vector.bitcast %and3A_237 : vector<16xi32> to vector<16xf32>
      %shift_left3A_239 = arith.constant 16 : i32
      %shift_left3A_240 = vector.broadcast %shift_left3A_239 : i32 to vector<16xi32>
      %shift_left3A_241 = arith.shli %bitcast3A_231, %shift_left3A_240 : vector<16xi32>
      %bitcast3A_242 = vector.bitcast %shift_left3A_241 : vector<16xi32> to vector<16xf32>
      %select_n3A_243 = arith.select %eq3A_236, %bitcast3A_238, %bitcast3A_242 : vector<16xi1>, vector<16xf32>
      %add3A_244 = arith.addf %add3A_226, %select_n3A_243 : vector<16xf32>
      %add3A_245 = arith.constant 6144 : i32
      %add3A_246 = arith.addi %add3A_245, %mul3A_32 : i32
      %get3A_247 = arith.index_cast %add3A_246 : i32 to index
      %get3A_248 = tpu.vector_load %arg9[%get3A_247] {strides = array<i32>} : memref<13312xf32, #tpu.memory_space<vmem>>, vector<16xf32>,
      %bitcast3A_249 = vector.bitcast %get3A_248 : vector<16xf32> to vector<16xi32>
      %get3A_250 = arith.index_cast %add3A_246 : i32 to index
      %get3A_251 = tpu.vector_load %arg7[%get3A_250] {strides = array<i32>} : memref<13312xi32, #tpu.memory_space<vmem>>, vector<16xi32>,
      %eq3A_252 = arith.constant 1 : i32
      %eq3A_253 = vector.broadcast %eq3A_252 : i32 to vector<16xi32>
      %eq3A_254 = arith.cmpi eq, %get3A_251, %eq3A_253 : vector<16xi32>
      %and3A_255 = arith.andi %bitcast3A_249, %broadcast_in_dim3A_19 : vector<16xi32>
      %bitcast3A_256 = vector.bitcast %and3A_255 : vector<16xi32> to vector<16xf32>
      %shift_left3A_257 = arith.constant 16 : i32
      %shift_left3A_258 = vector.broadcast %shift_left3A_257 : i32 to vector<16xi32>
      %shift_left3A_259 = arith.shli %bitcast3A_249, %shift_left3A_258 : vector<16xi32>
      %bitcast3A_260 = vector.bitcast %shift_left3A_259 : vector<16xi32> to vector<16xf32>
      %select_n3A_261 = arith.select %eq3A_254, %bitcast3A_256, %bitcast3A_260 : vector<16xi1>, vector<16xf32>
      %add3A_262 = arith.addf %add3A_244, %select_n3A_261 : vector<16xf32>
      %add3A_263 = arith.constant 6656 : i32
      %add3A_264 = arith.addi %add3A_263, %mul3A_32 : i32
      %get3A_265 = arith.index_cast %add3A_264 : i32 to index
      %get3A_266 = tpu.vector_load %arg9[%get3A_265] {strides = array<i32>} : memref<13312xf32, #tpu.memory_space<vmem>>, vector<16xf32>,
      %bitcast3A_267 = vector.bitcast %get3A_266 : vector<16xf32> to vector<16xi32>
      %get3A_268 = arith.index_cast %add3A_264 : i32 to index
      %get3A_269 = tpu.vector_load %arg7[%get3A_268] {strides = array<i32>} : memref<13312xi32, #tpu.memory_space<vmem>>, vector<16xi32>,
      %eq3A_270 = arith.constant 1 : i32
      %eq3A_271 = vector.broadcast %eq3A_270 : i32 to vector<16xi32>
      %eq3A_272 = arith.cmpi eq, %get3A_269, %eq3A_271 : vector<16xi32>
      %and3A_273 = arith.andi %bitcast3A_267, %broadcast_in_dim3A_19 : vector<16xi32>
      %bitcast3A_274 = vector.bitcast %and3A_273 : vector<16xi32> to vector<16xf32>
      %shift_left3A_275 = arith.constant 16 : i32
      %shift_left3A_276 = vector.broadcast %shift_left3A_275 : i32 to vector<16xi32>
      %shift_left3A_277 = arith.shli %bitcast3A_267, %shift_left3A_276 : vector<16xi32>
      %bitcast3A_278 = vector.bitcast %shift_left3A_277 : vector<16xi32> to vector<16xf32>
      %select_n3A_279 = arith.select %eq3A_272, %bitcast3A_274, %bitcast3A_278 : vector<16xi1>, vector<16xf32>
      %add3A_280 = arith.addf %add3A_262, %select_n3A_279 : vector<16xf32>
      %add3A_281 = arith.constant 7168 : i32
      %add3A_282 = arith.addi %add3A_281, %mul3A_32 : i32
      %get3A_283 = arith.index_cast %add3A_282 : i32 to index
      %get3A_284 = tpu.vector_load %arg9[%get3A_283] {strides = array<i32>} : memref<13312xf32, #tpu.memory_space<vmem>>, vector<16xf32>,
      %bitcast3A_285 = vector.bitcast %get3A_284 : vector<16xf32> to vector<16xi32>
      %get3A_286 = arith.index_cast %add3A_282 : i32 to index
      %get3A_287 = tpu.vector_load %arg7[%get3A_286] {strides = array<i32>} : memref<13312xi32, #tpu.memory_space<vmem>>, vector<16xi32>,
      %eq3A_288 = arith.constant 1 : i32
      %eq3A_289 = vector.broadcast %eq3A_288 : i32 to vector<16xi32>
      %eq3A_290 = arith.cmpi eq, %get3A_287, %eq3A_289 : vector<16xi32>
      %and3A_291 = arith.andi %bitcast3A_285, %broadcast_in_dim3A_19 : vector<16xi32>
      %bitcast3A_292 = vector.bitcast %and3A_291 : vector<16xi32> to vector<16xf32>
      %shift_left3A_293 = arith.constant 16 : i32
      %shift_left3A_294 = vector.broadcast %shift_left3A_293 : i32 to vector<16xi32>
      %shift_left3A_295 = arith.shli %bitcast3A_285, %shift_left3A_294 : vector<16xi32>
      %bitcast3A_296 = vector.bitcast %shift_left3A_295 : vector<16xi32> to vector<16xf32>
      %select_n3A_297 = arith.select %eq3A_290, %bitcast3A_292, %bitcast3A_296 : vector<16xi1>, vector<16xf32>
      %add3A_298 = arith.addf %add3A_280, %select_n3A_297 : vector<16xf32>
      %add3A_299 = arith.constant 7680 : i32
      %add3A_300 = arith.addi %add3A_299, %mul3A_32 : i32
      %get3A_301 = arith.index_cast %add3A_300 : i32 to index
      %get3A_302 = tpu.vector_load %arg9[%get3A_301] {strides = array<i32>} : memref<13312xf32, #tpu.memory_space<vmem>>, vector<16xf32>,
      %bitcast3A_303 = vector.bitcast %get3A_302 : vector<16xf32> to vector<16xi32>
      %get3A_304 = arith.index_cast %add3A_300 : i32 to index
      %get3A_305 = tpu.vector_load %arg7[%get3A_304] {strides = array<i32>} : memref<13312xi32, #tpu.memory_space<vmem>>, vector<16xi32>,
      %eq3A_306 = arith.constant 1 : i32
      %eq3A_307 = vector.broadcast %eq3A_306 : i32 to vector<16xi32>
      %eq3A_308 = arith.cmpi eq, %get3A_305, %eq3A_307 : vector<16xi32>
      %and3A_309 = arith.andi %bitcast3A_303, %broadcast_in_dim3A_19 : vector<16xi32>
      %bitcast3A_310 = vector.bitcast %and3A_309 : vector<16xi32> to vector<16xf32>
      %shift_left3A_311 = arith.constant 16 : i32
      %shift_left3A_312 = vector.broadcast %shift_left3A_311 : i32 to vector<16xi32>
      %shift_left3A_313 = arith.shli %bitcast3A_303, %shift_left3A_312 : vector<16xi32>
      %bitcast3A_314 = vector.bitcast %shift_left3A_313 : vector<16xi32> to vector<16xf32>
      %select_n3A_315 = arith.select %eq3A_308, %bitcast3A_310, %bitcast3A_314 : vector<16xi1>, vector<16xf32>
      %add3A_316 = arith.addf %add3A_298, %select_n3A_315 : vector<16xf32>
      %add3A_317 = arith.constant 8192 : i32
      %add3A_318 = arith.addi %add3A_317, %mul3A_32 : i32
      %get3A_319 = arith.index_cast %add3A_318 : i32 to index
      %get3A_320 = tpu.vector_load %arg9[%get3A_319] {strides = array<i32>} : memref<13312xf32, #tpu.memory_space<vmem>>, vector<16xf32>,
      %bitcast3A_321 = vector.bitcast %get3A_320 : vector<16xf32> to vector<16xi32>
      %get3A_322 = arith.index_cast %add3A_318 : i32 to index
      %get3A_323 = tpu.vector_load %arg7[%get3A_322] {strides = array<i32>} : memref<13312xi32, #tpu.memory_space<vmem>>, vector<16xi32>,
      %eq3A_324 = arith.constant 1 : i32
      %eq3A_325 = vector.broadcast %eq3A_324 : i32 to vector<16xi32>
      %eq3A_326 = arith.cmpi eq, %get3A_323, %eq3A_325 : vector<16xi32>
      %and3A_327 = arith.andi %bitcast3A_321, %broadcast_in_dim3A_19 : vector<16xi32>
      %bitcast3A_328 = vector.bitcast %and3A_327 : vector<16xi32> to vector<16xf32>
      %shift_left3A_329 = arith.constant 16 : i32
      %shift_left3A_330 = vector.broadcast %shift_left3A_329 : i32 to vector<16xi32>
      %shift_left3A_331 = arith.shli %bitcast3A_321, %shift_left3A_330 : vector<16xi32>
      %bitcast3A_332 = vector.bitcast %shift_left3A_331 : vector<16xi32> to vector<16xf32>
      %select_n3A_333 = arith.select %eq3A_326, %bitcast3A_328, %bitcast3A_332 : vector<16xi1>, vector<16xf32>
      %add3A_334 = arith.addf %add3A_316, %select_n3A_333 : vector<16xf32>
      %add3A_335 = arith.constant 8704 : i32
      %add3A_336 = arith.addi %add3A_335, %mul3A_32 : i32
      %get3A_337 = arith.index_cast %add3A_336 : i32 to index
      %get3A_338 = tpu.vector_load %arg9[%get3A_337] {strides = array<i32>} : memref<13312xf32, #tpu.memory_space<vmem>>, vector<16xf32>,
      %bitcast3A_339 = vector.bitcast %get3A_338 : vector<16xf32> to vector<16xi32>
      %get3A_340 = arith.index_cast %add3A_336 : i32 to index
      %get3A_341 = tpu.vector_load %arg7[%get3A_340] {strides = array<i32>} : memref<13312xi32, #tpu.memory_space<vmem>>, vector<16xi32>,
      %eq3A_342 = arith.constant 1 : i32
      %eq3A_343 = vector.broadcast %eq3A_342 : i32 to vector<16xi32>
      %eq3A_344 = arith.cmpi eq, %get3A_341, %eq3A_343 : vector<16xi32>
      %and3A_345 = arith.andi %bitcast3A_339, %broadcast_in_dim3A_19 : vector<16xi32>
      %bitcast3A_346 = vector.bitcast %and3A_345 : vector<16xi32> to vector<16xf32>
      %shift_left3A_347 = arith.constant 16 : i32
      %shift_left3A_348 = vector.broadcast %shift_left3A_347 : i32 to vector<16xi32>
      %shift_left3A_349 = arith.shli %bitcast3A_339, %shift_left3A_348 : vector<16xi32>
      %bitcast3A_350 = vector.bitcast %shift_left3A_349 : vector<16xi32> to vector<16xf32>
      %select_n3A_351 = arith.select %eq3A_344, %bitcast3A_346, %bitcast3A_350 : vector<16xi1>, vector<16xf32>
      %add3A_352 = arith.addf %add3A_334, %select_n3A_351 : vector<16xf32>
      %add3A_353 = arith.constant 9216 : i32
      %add3A_354 = arith.addi %add3A_353, %mul3A_32 : i32
      %get3A_355 = arith.index_cast %add3A_354 : i32 to index
      %get3A_356 = tpu.vector_load %arg9[%get3A_355] {strides = array<i32>} : memref<13312xf32, #tpu.memory_space<vmem>>, vector<16xf32>,
      %bitcast3A_357 = vector.bitcast %get3A_356 : vector<16xf32> to vector<16xi32>
      %get3A_358 = arith.index_cast %add3A_354 : i32 to index
      %get3A_359 = tpu.vector_load %arg7[%get3A_358] {strides = array<i32>} : memref<13312xi32, #tpu.memory_space<vmem>>, vector<16xi32>,
      %eq3A_360 = arith.constant 1 : i32
      %eq3A_361 = vector.broadcast %eq3A_360 : i32 to vector<16xi32>
      %eq3A_362 = arith.cmpi eq, %get3A_359, %eq3A_361 : vector<16xi32>
      %and3A_363 = arith.andi %bitcast3A_357, %broadcast_in_dim3A_19 : vector<16xi32>
      %bitcast3A_364 = vector.bitcast %and3A_363 : vector<16xi32> to vector<16xf32>
      %shift_left3A_365 = arith.constant 16 : i32
      %shift_left3A_366 = vector.broadcast %shift_left3A_365 : i32 to vector<16xi32>
      %shift_left3A_367 = arith.shli %bitcast3A_357, %shift_left3A_366 : vector<16xi32>
      %bitcast3A_368 = vector.bitcast %shift_left3A_367 : vector<16xi32> to vector<16xf32>
      %select_n3A_369 = arith.select %eq3A_362, %bitcast3A_364, %bitcast3A_368 : vector<16xi1>, vector<16xf32>
      %add3A_370 = arith.addf %add3A_352, %select_n3A_369 : vector<16xf32>
      %add3A_371 = arith.constant 9728 : i32
      %add3A_372 = arith.addi %add3A_371, %mul3A_32 : i32
      %get3A_373 = arith.index_cast %add3A_372 : i32 to index
      %get3A_374 = tpu.vector_load %arg9[%get3A_373] {strides = array<i32>} : memref<13312xf32, #tpu.memory_space<vmem>>, vector<16xf32>,
      %bitcast3A_375 = vector.bitcast %get3A_374 : vector<16xf32> to vector<16xi32>
      %get3A_376 = arith.index_cast %add3A_372 : i32 to index
      %get3A_377 = tpu.vector_load %arg7[%get3A_376] {strides = array<i32>} : memref<13312xi32, #tpu.memory_space<vmem>>, vector<16xi32>,
      %eq3A_378 = arith.constant 1 : i32
      %eq3A_379 = vector.broadcast %eq3A_378 : i32 to vector<16xi32>
      %eq3A_380 = arith.cmpi eq, %get3A_377, %eq3A_379 : vector<16xi32>
      %and3A_381 = arith.andi %bitcast3A_375, %broadcast_in_dim3A_19 : vector<16xi32>
      %bitcast3A_382 = vector.bitcast %and3A_381 : vector<16xi32> to vector<16xf32>
      %shift_left3A_383 = arith.constant 16 : i32
      %shift_left3A_384 = vector.broadcast %shift_left3A_383 : i32 to vector<16xi32>
      %shift_left3A_385 = arith.shli %bitcast3A_375, %shift_left3A_384 : vector<16xi32>
      %bitcast3A_386 = vector.bitcast %shift_left3A_385 : vector<16xi32> to vector<16xf32>
      %select_n3A_387 = arith.select %eq3A_380, %bitcast3A_382, %bitcast3A_386 : vector<16xi1>, vector<16xf32>
      %add3A_388 = arith.addf %add3A_370, %select_n3A_387 : vector<16xf32>
      %add3A_389 = arith.constant 10240 : i32
      %add3A_390 = arith.addi %add3A_389, %mul3A_32 : i32
      %get3A_391 = arith.index_cast %add3A_390 : i32 to index
      %get3A_392 = tpu.vector_load %arg9[%get3A_391] {strides = array<i32>} : memref<13312xf32, #tpu.memory_space<vmem>>, vector<16xf32>,
      %bitcast3A_393 = vector.bitcast %get3A_392 : vector<16xf32> to vector<16xi32>
      %get3A_394 = arith.index_cast %add3A_390 : i32 to index
      %get3A_395 = tpu.vector_load %arg7[%get3A_394] {strides = array<i32>} : memref<13312xi32, #tpu.memory_space<vmem>>, vector<16xi32>,
      %eq3A_396 = arith.constant 1 : i32
      %eq3A_397 = vector.broadcast %eq3A_396 : i32 to vector<16xi32>
      %eq3A_398 = arith.cmpi eq, %get3A_395, %eq3A_397 : vector<16xi32>
      %and3A_399 = arith.andi %bitcast3A_393, %broadcast_in_dim3A_19 : vector<16xi32>
      %bitcast3A_400 = vector.bitcast %and3A_399 : vector<16xi32> to vector<16xf32>
      %shift_left3A_401 = arith.constant 16 : i32
      %shift_left3A_402 = vector.broadcast %shift_left3A_401 : i32 to vector<16xi32>
      %shift_left3A_403 = arith.shli %bitcast3A_393, %shift_left3A_402 : vector<16xi32>
      %bitcast3A_404 = vector.bitcast %shift_left3A_403 : vector<16xi32> to vector<16xf32>
      %select_n3A_405 = arith.select %eq3A_398, %bitcast3A_400, %bitcast3A_404 : vector<16xi1>, vector<16xf32>
      %add3A_406 = arith.addf %add3A_388, %select_n3A_405 : vector<16xf32>
      %add3A_407 = arith.constant 10752 : i32
      %add3A_408 = arith.addi %add3A_407, %mul3A_32 : i32
      %get3A_409 = arith.index_cast %add3A_408 : i32 to index
      %get3A_410 = tpu.vector_load %arg9[%get3A_409] {strides = array<i32>} : memref<13312xf32, #tpu.memory_space<vmem>>, vector<16xf32>,
      %bitcast3A_411 = vector.bitcast %get3A_410 : vector<16xf32> to vector<16xi32>
      %get3A_412 = arith.index_cast %add3A_408 : i32 to index
      %get3A_413 = tpu.vector_load %arg7[%get3A_412] {strides = array<i32>} : memref<13312xi32, #tpu.memory_space<vmem>>, vector<16xi32>,
      %eq3A_414 = arith.constant 1 : i32
      %eq3A_415 = vector.broadcast %eq3A_414 : i32 to vector<16xi32>
      %eq3A_416 = arith.cmpi eq, %get3A_413, %eq3A_415 : vector<16xi32>
      %and3A_417 = arith.andi %bitcast3A_411, %broadcast_in_dim3A_19 : vector<16xi32>
      %bitcast3A_418 = vector.bitcast %and3A_417 : vector<16xi32> to vector<16xf32>
      %shift_left3A_419 = arith.constant 16 : i32
      %shift_left3A_420 = vector.broadcast %shift_left3A_419 : i32 to vector<16xi32>
      %shift_left3A_421 = arith.shli %bitcast3A_411, %shift_left3A_420 : vector<16xi32>
      %bitcast3A_422 = vector.bitcast %shift_left3A_421 : vector<16xi32> to vector<16xf32>
      %select_n3A_423 = arith.select %eq3A_416, %bitcast3A_418, %bitcast3A_422 : vector<16xi1>, vector<16xf32>
      %add3A_424 = arith.addf %add3A_406, %select_n3A_423 : vector<16xf32>
      %add3A_425 = arith.constant 11264 : i32
      %add3A_426 = arith.addi %add3A_425, %mul3A_32 : i32
      %get3A_427 = arith.index_cast %add3A_426 : i32 to index
      %get3A_428 = tpu.vector_load %arg9[%get3A_427] {strides = array<i32>} : memref<13312xf32, #tpu.memory_space<vmem>>, vector<16xf32>,
      %bitcast3A_429 = vector.bitcast %get3A_428 : vector<16xf32> to vector<16xi32>
      %get3A_430 = arith.index_cast %add3A_426 : i32 to index
      %get3A_431 = tpu.vector_load %arg7[%get3A_430] {strides = array<i32>} : memref<13312xi32, #tpu.memory_space<vmem>>, vector<16xi32>,
      %eq3A_432 = arith.constant 1 : i32
      %eq3A_433 = vector.broadcast %eq3A_432 : i32 to vector<16xi32>
      %eq3A_434 = arith.cmpi eq, %get3A_431, %eq3A_433 : vector<16xi32>
      %and3A_435 = arith.andi %bitcast3A_429, %broadcast_in_dim3A_19 : vector<16xi32>
      %bitcast3A_436 = vector.bitcast %and3A_435 : vector<16xi32> to vector<16xf32>
      %shift_left3A_437 = arith.constant 16 : i32
      %shift_left3A_438 = vector.broadcast %shift_left3A_437 : i32 to vector<16xi32>
      %shift_left3A_439 = arith.shli %bitcast3A_429, %shift_left3A_438 : vector<16xi32>
      %bitcast3A_440 = vector.bitcast %shift_left3A_439 : vector<16xi32> to vector<16xf32>
      %select_n3A_441 = arith.select %eq3A_434, %bitcast3A_436, %bitcast3A_440 : vector<16xi1>, vector<16xf32>
      %add3A_442 = arith.addf %add3A_424, %select_n3A_441 : vector<16xf32>
      %add3A_443 = arith.constant 11776 : i32
      %add3A_444 = arith.addi %add3A_443, %mul3A_32 : i32
      %get3A_445 = arith.index_cast %add3A_444 : i32 to index
      %get3A_446 = tpu.vector_load %arg9[%get3A_445] {strides = array<i32>} : memref<13312xf32, #tpu.memory_space<vmem>>, vector<16xf32>,
      %bitcast3A_447 = vector.bitcast %get3A_446 : vector<16xf32> to vector<16xi32>
      %get3A_448 = arith.index_cast %add3A_444 : i32 to index
      %get3A_449 = tpu.vector_load %arg7[%get3A_448] {strides = array<i32>} : memref<13312xi32, #tpu.memory_space<vmem>>, vector<16xi32>,
      %eq3A_450 = arith.constant 1 : i32
      %eq3A_451 = vector.broadcast %eq3A_450 : i32 to vector<16xi32>
      %eq3A_452 = arith.cmpi eq, %get3A_449, %eq3A_451 : vector<16xi32>
      %and3A_453 = arith.andi %bitcast3A_447, %broadcast_in_dim3A_19 : vector<16xi32>
      %bitcast3A_454 = vector.bitcast %and3A_453 : vector<16xi32> to vector<16xf32>
      %shift_left3A_455 = arith.constant 16 : i32
      %shift_left3A_456 = vector.broadcast %shift_left3A_455 : i32 to vector<16xi32>
      %shift_left3A_457 = arith.shli %bitcast3A_447, %shift_left3A_456 : vector<16xi32>
      %bitcast3A_458 = vector.bitcast %shift_left3A_457 : vector<16xi32> to vector<16xf32>
      %select_n3A_459 = arith.select %eq3A_452, %bitcast3A_454, %bitcast3A_458 : vector<16xi1>, vector<16xf32>
      %add3A_460 = arith.addf %add3A_442, %select_n3A_459 : vector<16xf32>
      %add3A_461 = arith.constant 12288 : i32
      %add3A_462 = arith.addi %add3A_461, %mul3A_32 : i32
      %get3A_463 = arith.index_cast %add3A_462 : i32 to index
      %get3A_464 = tpu.vector_load %arg9[%get3A_463] {strides = array<i32>} : memref<13312xf32, #tpu.memory_space<vmem>>, vector<16xf32>,
      %bitcast3A_465 = vector.bitcast %get3A_464 : vector<16xf32> to vector<16xi32>
      %get3A_466 = arith.index_cast %add3A_462 : i32 to index
      %get3A_467 = tpu.vector_load %arg7[%get3A_466] {strides = array<i32>} : memref<13312xi32, #tpu.memory_space<vmem>>, vector<16xi32>,
      %eq3A_468 = arith.constant 1 : i32
      %eq3A_469 = vector.broadcast %eq3A_468 : i32 to vector<16xi32>
      %eq3A_470 = arith.cmpi eq, %get3A_467, %eq3A_469 : vector<16xi32>
      %and3A_471 = arith.andi %bitcast3A_465, %broadcast_in_dim3A_19 : vector<16xi32>
      %bitcast3A_472 = vector.bitcast %and3A_471 : vector<16xi32> to vector<16xf32>
      %shift_left3A_473 = arith.constant 16 : i32
      %shift_left3A_474 = vector.broadcast %shift_left3A_473 : i32 to vector<16xi32>
      %shift_left3A_475 = arith.shli %bitcast3A_465, %shift_left3A_474 : vector<16xi32>
      %bitcast3A_476 = vector.bitcast %shift_left3A_475 : vector<16xi32> to vector<16xf32>
      %select_n3A_477 = arith.select %eq3A_470, %bitcast3A_472, %bitcast3A_476 : vector<16xi1>, vector<16xf32>
      %add3A_478 = arith.addf %add3A_460, %select_n3A_477 : vector<16xf32>
      %add3A_479 = arith.constant 12800 : i32
      %add3A_480 = arith.addi %add3A_479, %mul3A_32 : i32
      %get3A_481 = arith.index_cast %add3A_480 : i32 to index
      %get3A_482 = tpu.vector_load %arg9[%get3A_481] {strides = array<i32>} : memref<13312xf32, #tpu.memory_space<vmem>>, vector<16xf32>,
      %bitcast3A_483 = vector.bitcast %get3A_482 : vector<16xf32> to vector<16xi32>
      %get3A_484 = arith.index_cast %add3A_480 : i32 to index
      %get3A_485 = tpu.vector_load %arg7[%get3A_484] {strides = array<i32>} : memref<13312xi32, #tpu.memory_space<vmem>>, vector<16xi32>,
      %eq3A_486 = arith.constant 1 : i32
      %eq3A_487 = vector.broadcast %eq3A_486 : i32 to vector<16xi32>
      %eq3A_488 = arith.cmpi eq, %get3A_485, %eq3A_487 : vector<16xi32>
      %and3A_489 = arith.andi %bitcast3A_483, %broadcast_in_dim3A_19 : vector<16xi32>
      %bitcast3A_490 = vector.bitcast %and3A_489 : vector<16xi32> to vector<16xf32>
      %shift_left3A_491 = arith.constant 16 : i32
      %shift_left3A_492 = vector.broadcast %shift_left3A_491 : i32 to vector<16xi32>
      %shift_left3A_493 = arith.shli %bitcast3A_483, %shift_left3A_492 : vector<16xi32>
      %bitcast3A_494 = vector.bitcast %shift_left3A_493 : vector<16xi32> to vector<16xf32>
      %select_n3A_495 = arith.select %eq3A_488, %bitcast3A_490, %bitcast3A_494 : vector<16xi1>, vector<16xf32>
      %add3A_496 = arith.addf %add3A_478, %select_n3A_495 : vector<16xf32>
      %add3A_497 = arith.addf %add3A_496, %sub3A : vector<16xf32>
      %neg3A = arith.constant 0.000000e+00 : f32
      %neg3A_498 = vector.broadcast %neg3A : f32 to vector<16xf32>
      %neg3A_499 = arith.subf %neg3A_498, %add3A_497 : vector<16xf32>
      %exp3A = math.exp %neg3A_499 : vector<16xf32>
      %add3A_500 = arith.constant 1.000000e+00 : f32
      %add3A_501 = vector.broadcast %add3A_500 : f32 to vector<16xf32>
      %add3A_502 = arith.addf %add3A_501, %exp3A : vector<16xf32>
      %div3A = arith.constant 1.000000e+00 : f32
      %div3A_503 = vector.broadcast %div3A : f32 to vector<16xf32>
      %div3A_504 = arith.divf %div3A_503, %add3A_502 : vector<16xf32>
      %exp3A_505 = math.exp %add3A_497 : vector<16xf32>
      %add3A_506 = arith.constant 1.000000e+00 : f32
      %add3A_507 = vector.broadcast %add3A_506 : f32 to vector<16xf32>
      %add3A_508 = arith.addf %add3A_507, %exp3A_505 : vector<16xf32>
      %div3A_509 = arith.constant 1.000000e+00 : f32
      %div3A_510 = vector.broadcast %div3A_509 : f32 to vector<16xf32>
      %div3A_511 = arith.divf %div3A_510, %add3A_508 : vector<16xf32>
      %add3A_512 = vector.broadcast %mul3A_32 : i32 to vector<16xi32>
      %add3A_513 = arith.addi %add3A_512, %iota3A : vector<16xi32>
      %mul3A_514 = arith.constant 2 : i32
      %mul3A_515 = vector.broadcast %mul3A_514 : i32 to vector<16xi32>
      %mul3A_516 = arith.muli %add3A_513, %mul3A_515 : vector<16xi32>
      tpu.vector_store_idx %arg11[%mul3A_516], %div3A_504 : memref<1024xf32, #tpu.memory_space<vmem>>[vector<16xi32>], vector<16xf32>,
      %add3A_517 = arith.constant 1 : i32
      %add3A_518 = vector.broadcast %add3A_517 : i32 to vector<16xi32>
      %add3A_519 = arith.addi %mul3A_516, %add3A_518 : vector<16xi32>
      tpu.vector_store_idx %arg11[%add3A_519], %div3A_511 : memref<1024xf32, #tpu.memory_space<vmem>>[vector<16xi32>], vector<16xf32>,
      %scan3A_520 = arith.constant 0 : i32
      scf.yield %scan3A_520 : i32
    }
    %scan3A_26 = arith.constant 32 : i32
    %mul3A_27 = arith.constant 2 : i32
    %mul3A_28 = arith.muli %mul3A_2, %mul3A_27 : i32
    "tpu.region"() ({
      %run_scoped3A = tpu.sem_alloc : memref<!tpu.dma_semaphore, #tpu.memory_space<semaphore_mem>>
      %dma_start3A_29 = tpu.memref_slice %arg5[%mul3A_28] : memref<32768xf32, #tpu.memory_space<hbm>> -> memref<1024xf32, #tpu.memory_space<hbm>>
      %dma_start3A_30 = tpu.memref_slice %arg5[%mul3A_28] : memref<32768xf32, #tpu.memory_space<hbm>> -> memref<1024xf32, #tpu.memory_space<hbm>>
      tpu.enqueue_dma source(%arg11 : memref<1024xf32, #tpu.memory_space<vmem>>) target(%dma_start3A_30 : memref<1024xf32, #tpu.memory_space<hbm>>) target_semaphore(%run_scoped3A : memref<!tpu.dma_semaphore, #tpu.memory_space<semaphore_mem>>)
      %dma_wait3A_31 = tpu.memref_slice %arg5[%mul3A_28] : memref<32768xf32, #tpu.memory_space<hbm>> -> memref<1024xf32, #tpu.memory_space<hbm>>
      %dma_wait3A_32 = tpu.memref_slice %arg5[%mul3A_28] : memref<32768xf32, #tpu.memory_space<hbm>> -> memref<1024xf32, #tpu.memory_space<hbm>>
      tpu.wait_dma2 semaphore(%run_scoped3A : memref<!tpu.dma_semaphore, #tpu.memory_space<semaphore_mem>>) src(%arg11 : memref<1024xf32, #tpu.memory_space<vmem>>) dst(%dma_wait3A_32 : memref<1024xf32, #tpu.memory_space<hbm>>)
      tpu.yield
    }) : () -> ()
    return
  }
}

module attributes {stable_mosaic.version = 14 : i64} {
  func.func @_pack_body(%arg0: memref<26x2x1000000xf32, #tpu.memory_space<hbm>>, %arg1: memref<13002496xf32, #tpu.memory_space<hbm>>, %arg2: memref<1000000xf32, #tpu.memory_space<vmem>>, %arg3: memref<1000000xf32, #tpu.memory_space<vmem>>, %arg4: memref<500096xf32, #tpu.memory_space<vmem>>, %arg5: memref<1000000xf32, #tpu.memory_space<vmem>>, %arg6: memref<1000000xf32, #tpu.memory_space<vmem>>, %arg7: memref<500096xf32, #tpu.memory_space<vmem>>, %arg8: memref<2x2x!tpu.dma_semaphore, #tpu.memory_space<semaphore_mem>>, %arg9: memref<2x!tpu.dma_semaphore, #tpu.memory_space<semaphore_mem>>) attributes {dimension_semantics = [], scalar_prefetch = 0 : i64, scratch_operands = 8 : i64, tpu.core_type = #tpu.core_type<tc>} {
    %dma_start3A = arith.constant 0 : i32
    %dma_start3A_0 = arith.constant 0 : i32
    %dma_start3A_1 = arith.constant 0 : i32
    %dma_start3A_2 = arith.constant 0 : i32
    %dma_start3A_3 = tpu.memref_slice %arg8[%dma_start3A_1, %dma_start3A_2] : memref<2x2x!tpu.dma_semaphore, #tpu.memory_space<semaphore_mem>> -> memref<1x1x!tpu.dma_semaphore, #tpu.memory_space<semaphore_mem>>
    %dma_start3A_4 = tpu.memref_squeeze %dma_start3A_3 : memref<1x1x!tpu.dma_semaphore, #tpu.memory_space<semaphore_mem>> -> memref<!tpu.dma_semaphore, #tpu.memory_space<semaphore_mem>>
    %dma_start3A_5 = arith.constant 0 : i32
    %dma_start3A_6 = tpu.memref_slice %arg0[%dma_start3A, %dma_start3A_0, %dma_start3A_5] : memref<26x2x1000000xf32, #tpu.memory_space<hbm>> -> memref<1x1x1000000xf32, #tpu.memory_space<hbm>>
    %dma_start3A_7 = tpu.memref_squeeze %dma_start3A_6 : memref<1x1x1000000xf32, #tpu.memory_space<hbm>> -> memref<1000000xf32, #tpu.memory_space<hbm>>
    tpu.enqueue_dma source(%dma_start3A_7 : memref<1000000xf32, #tpu.memory_space<hbm>>) target(%arg2 : memref<1000000xf32, #tpu.memory_space<vmem>>) target_semaphore(%dma_start3A_4 : memref<!tpu.dma_semaphore, #tpu.memory_space<semaphore_mem>>)
    %dma_start3A_8 = arith.constant 0 : i32
    %dma_start3A_9 = arith.constant 1 : i32
    %dma_start3A_10 = arith.constant 0 : i32
    %dma_start3A_11 = arith.constant 1 : i32
    %dma_start3A_12 = tpu.memref_slice %arg8[%dma_start3A_10, %dma_start3A_11] : memref<2x2x!tpu.dma_semaphore, #tpu.memory_space<semaphore_mem>> -> memref<1x1x!tpu.dma_semaphore, #tpu.memory_space<semaphore_mem>>
    %dma_start3A_13 = tpu.memref_squeeze %dma_start3A_12 : memref<1x1x!tpu.dma_semaphore, #tpu.memory_space<semaphore_mem>> -> memref<!tpu.dma_semaphore, #tpu.memory_space<semaphore_mem>>
    %dma_start3A_14 = arith.constant 0 : i32
    %dma_start3A_15 = tpu.memref_slice %arg0[%dma_start3A_8, %dma_start3A_9, %dma_start3A_14] : memref<26x2x1000000xf32, #tpu.memory_space<hbm>> -> memref<1x1x1000000xf32, #tpu.memory_space<hbm>>
    %dma_start3A_16 = tpu.memref_squeeze %dma_start3A_15 : memref<1x1x1000000xf32, #tpu.memory_space<hbm>> -> memref<1000000xf32, #tpu.memory_space<hbm>>
    tpu.enqueue_dma source(%dma_start3A_16 : memref<1000000xf32, #tpu.memory_space<hbm>>) target(%arg3 : memref<1000000xf32, #tpu.memory_space<vmem>>) target_semaphore(%dma_start3A_13 : memref<!tpu.dma_semaphore, #tpu.memory_space<semaphore_mem>>)
    %dma_start3A_17 = arith.constant 1 : i32
    %dma_start3A_18 = arith.constant 0 : i32
    %dma_start3A_19 = arith.constant 1 : i32
    %dma_start3A_20 = arith.constant 0 : i32
    %dma_start3A_21 = tpu.memref_slice %arg8[%dma_start3A_19, %dma_start3A_20] : memref<2x2x!tpu.dma_semaphore, #tpu.memory_space<semaphore_mem>> -> memref<1x1x!tpu.dma_semaphore, #tpu.memory_space<semaphore_mem>>
    %dma_start3A_22 = tpu.memref_squeeze %dma_start3A_21 : memref<1x1x!tpu.dma_semaphore, #tpu.memory_space<semaphore_mem>> -> memref<!tpu.dma_semaphore, #tpu.memory_space<semaphore_mem>>
    %dma_start3A_23 = arith.constant 0 : i32
    %dma_start3A_24 = tpu.memref_slice %arg0[%dma_start3A_17, %dma_start3A_18, %dma_start3A_23] : memref<26x2x1000000xf32, #tpu.memory_space<hbm>> -> memref<1x1x1000000xf32, #tpu.memory_space<hbm>>
    %dma_start3A_25 = tpu.memref_squeeze %dma_start3A_24 : memref<1x1x1000000xf32, #tpu.memory_space<hbm>> -> memref<1000000xf32, #tpu.memory_space<hbm>>
    tpu.enqueue_dma source(%dma_start3A_25 : memref<1000000xf32, #tpu.memory_space<hbm>>) target(%arg5 : memref<1000000xf32, #tpu.memory_space<vmem>>) target_semaphore(%dma_start3A_22 : memref<!tpu.dma_semaphore, #tpu.memory_space<semaphore_mem>>)
    %dma_start3A_26 = arith.constant 1 : i32
    %dma_start3A_27 = arith.constant 1 : i32
    %dma_start3A_28 = arith.constant 1 : i32
    %dma_start3A_29 = arith.constant 1 : i32
    %dma_start3A_30 = tpu.memref_slice %arg8[%dma_start3A_28, %dma_start3A_29] : memref<2x2x!tpu.dma_semaphore, #tpu.memory_space<semaphore_mem>> -> memref<1x1x!tpu.dma_semaphore, #tpu.memory_space<semaphore_mem>>
    %dma_start3A_31 = tpu.memref_squeeze %dma_start3A_30 : memref<1x1x!tpu.dma_semaphore, #tpu.memory_space<semaphore_mem>> -> memref<!tpu.dma_semaphore, #tpu.memory_space<semaphore_mem>>
    %dma_start3A_32 = arith.constant 0 : i32
    %dma_start3A_33 = tpu.memref_slice %arg0[%dma_start3A_26, %dma_start3A_27, %dma_start3A_32] : memref<26x2x1000000xf32, #tpu.memory_space<hbm>> -> memref<1x1x1000000xf32, #tpu.memory_space<hbm>>
    %dma_start3A_34 = tpu.memref_squeeze %dma_start3A_33 : memref<1x1x1000000xf32, #tpu.memory_space<hbm>> -> memref<1000000xf32, #tpu.memory_space<hbm>>
    tpu.enqueue_dma source(%dma_start3A_34 : memref<1000000xf32, #tpu.memory_space<hbm>>) target(%arg6 : memref<1000000xf32, #tpu.memory_space<vmem>>) target_semaphore(%dma_start3A_31 : memref<!tpu.dma_semaphore, #tpu.memory_space<semaphore_mem>>)
    %scan3A = arith.constant 0 : i32
    %scan3A_35 = arith.constant 13 : i32
    %scan3A_36 = arith.addi %scan3A, %scan3A_35 : i32
    %scan3A_37 = arith.constant 1 : i32
    scf.for %scan3A_48 = %scan3A to %scan3A_36 step %scan3A_37  : i32 {
      %mul3A = arith.constant 2 : i32
      %mul3A_49 = arith.muli %mul3A, %scan3A_48 : i32
      %add3A = arith.constant 0 : i32
      %add3A_50 = arith.addi %mul3A_49, %add3A : i32
      %ge3A = arith.constant 1 : i32
      %ge3A_51 = arith.cmpi sge, %scan3A_48, %ge3A : i32
      %convert_element_type3A = arith.extui %ge3A_51 : i1 to i32
      %cond3A = arith.constant 0 : i32
      %cond3A_52 = arith.cmpi ne, %convert_element_type3A, %cond3A : i32
      scf.if %cond3A_52 {
        %sub3A_254 = arith.constant 2 : i32
        %sub3A_255 = arith.subi %add3A_50, %sub3A_254 : i32
        %mul3A_256 = arith.constant 500096 : i32
        %mul3A_257 = arith.muli %sub3A_255, %mul3A_256 : i32
        %dma_wait3A_258 = arith.constant 0 : i32
        %dma_wait3A_259 = tpu.memref_slice %arg9[%dma_wait3A_258] : memref<2x!tpu.dma_semaphore, #tpu.memory_space<semaphore_mem>> -> memref<1x!tpu.dma_semaphore, #tpu.memory_space<semaphore_mem>>
        %dma_wait3A_260 = tpu.memref_squeeze %dma_wait3A_259 : memref<1x!tpu.dma_semaphore, #tpu.memory_space<semaphore_mem>> -> memref<!tpu.dma_semaphore, #tpu.memory_space<semaphore_mem>>
        %dma_wait3A_261 = tpu.memref_slice %arg1[%mul3A_257] : memref<13002496xf32, #tpu.memory_space<hbm>> -> memref<500096xf32, #tpu.memory_space<hbm>>
        tpu.wait_dma2 semaphore(%dma_wait3A_260 : memref<!tpu.dma_semaphore, #tpu.memory_space<semaphore_mem>>) src(%arg4 : memref<500096xf32, #tpu.memory_space<vmem>>) dst(%dma_wait3A_261 : memref<500096xf32, #tpu.memory_space<hbm>>)
      } else {
      }
      %dma_wait3A_53 = arith.constant 0 : i32
      %dma_wait3A_54 = arith.constant 0 : i32
      %dma_wait3A_55 = arith.constant 0 : i32
      %dma_wait3A_56 = tpu.memref_slice %arg8[%dma_wait3A_54, %dma_wait3A_55] : memref<2x2x!tpu.dma_semaphore, #tpu.memory_space<semaphore_mem>> -> memref<1x1x!tpu.dma_semaphore, #tpu.memory_space<semaphore_mem>>
      %dma_wait3A_57 = tpu.memref_squeeze %dma_wait3A_56 : memref<1x1x!tpu.dma_semaphore, #tpu.memory_space<semaphore_mem>> -> memref<!tpu.dma_semaphore, #tpu.memory_space<semaphore_mem>>
      %dma_wait3A_58 = arith.constant 0 : i32
      %dma_wait3A_59 = tpu.memref_slice %arg0[%add3A_50, %dma_wait3A_53, %dma_wait3A_58] : memref<26x2x1000000xf32, #tpu.memory_space<hbm>> -> memref<1x1x1000000xf32, #tpu.memory_space<hbm>>
      %dma_wait3A_60 = tpu.memref_squeeze %dma_wait3A_59 : memref<1x1x1000000xf32, #tpu.memory_space<hbm>> -> memref<1000000xf32, #tpu.memory_space<hbm>>
      tpu.wait_dma2 semaphore(%dma_wait3A_57 : memref<!tpu.dma_semaphore, #tpu.memory_space<semaphore_mem>>) src(%dma_wait3A_60 : memref<1000000xf32, #tpu.memory_space<hbm>>) dst(%arg2 : memref<1000000xf32, #tpu.memory_space<vmem>>)
      %dma_wait3A_61 = arith.constant 1 : i32
      %dma_wait3A_62 = arith.constant 0 : i32
      %dma_wait3A_63 = arith.constant 1 : i32
      %dma_wait3A_64 = tpu.memref_slice %arg8[%dma_wait3A_62, %dma_wait3A_63] : memref<2x2x!tpu.dma_semaphore, #tpu.memory_space<semaphore_mem>> -> memref<1x1x!tpu.dma_semaphore, #tpu.memory_space<semaphore_mem>>
      %dma_wait3A_65 = tpu.memref_squeeze %dma_wait3A_64 : memref<1x1x!tpu.dma_semaphore, #tpu.memory_space<semaphore_mem>> -> memref<!tpu.dma_semaphore, #tpu.memory_space<semaphore_mem>>
      %dma_wait3A_66 = arith.constant 0 : i32
      %dma_wait3A_67 = tpu.memref_slice %arg0[%add3A_50, %dma_wait3A_61, %dma_wait3A_66] : memref<26x2x1000000xf32, #tpu.memory_space<hbm>> -> memref<1x1x1000000xf32, #tpu.memory_space<hbm>>
      %dma_wait3A_68 = tpu.memref_squeeze %dma_wait3A_67 : memref<1x1x1000000xf32, #tpu.memory_space<hbm>> -> memref<1000000xf32, #tpu.memory_space<hbm>>
      tpu.wait_dma2 semaphore(%dma_wait3A_65 : memref<!tpu.dma_semaphore, #tpu.memory_space<semaphore_mem>>) src(%dma_wait3A_68 : memref<1000000xf32, #tpu.memory_space<hbm>>) dst(%arg3 : memref<1000000xf32, #tpu.memory_space<vmem>>)
      %get3A = arith.constant 0 : index
      %get3A_69 = vector.load %arg2[%get3A] : memref<1000000xf32, #tpu.memory_space<vmem>>, vector<249984xf32>
      %get3A_70 = arith.constant 0 : index
      %get3A_71 = vector.load %arg3[%get3A_70] : memref<1000000xf32, #tpu.memory_space<vmem>>, vector<249984xf32>
      %sub3A = arith.subf %get3A_69, %get3A_71 : vector<249984xf32>
      %bitcast_convert_type3A = tpu.bitcast %sub3A : vector<249984xf32> -> vector<249984xi32>
      %add3A_72 = arith.constant 32768 : i32
      %add3A_73 = vector.broadcast %add3A_72 : i32 to vector<249984xi32>
      %add3A_74 = arith.addi %bitcast_convert_type3A, %add3A_73 : vector<249984xi32>
      %get3A_75 = arith.constant 499968 : index
      %get3A_76 = vector.load %arg2[%get3A_75] : memref<1000000xf32, #tpu.memory_space<vmem>>, vector<249984xf32>
      %get3A_77 = arith.constant 499968 : index
      %get3A_78 = vector.load %arg3[%get3A_77] : memref<1000000xf32, #tpu.memory_space<vmem>>, vector<249984xf32>
      %sub3A_79 = arith.subf %get3A_76, %get3A_78 : vector<249984xf32>
      %bitcast_convert_type3A_80 = tpu.bitcast %sub3A_79 : vector<249984xf32> -> vector<249984xi32>
      %add3A_81 = arith.constant 32768 : i32
      %add3A_82 = vector.broadcast %add3A_81 : i32 to vector<249984xi32>
      %add3A_83 = arith.addi %bitcast_convert_type3A_80, %add3A_82 : vector<249984xi32>
      %shift_right_logical3A = arith.constant 16 : i32
      %shift_right_logical3A_84 = vector.broadcast %shift_right_logical3A : i32 to vector<249984xi32>
      %shift_right_logical3A_85 = arith.shrui %add3A_74, %shift_right_logical3A_84 : vector<249984xi32>
      %and3A = arith.constant -65536 : i32
      %and3A_86 = vector.broadcast %and3A : i32 to vector<249984xi32>
      %and3A_87 = arith.andi %add3A_83, %and3A_86 : vector<249984xi32>
      %or3A = arith.ori %shift_right_logical3A_85, %and3A_87 : vector<249984xi32>
      %bitcast_convert_type3A_88 = tpu.bitcast %or3A : vector<249984xi32> -> vector<249984xf32>
      %swap3A = arith.constant 0 : index
      %swap3A_89 = vector.load %arg4[%swap3A] : memref<500096xf32, #tpu.memory_space<vmem>>, vector<249984xf32>
      tpu.vector_store %arg4[%swap3A], %bitcast_convert_type3A_88 {strides = array<i32>} : memref<500096xf32, #tpu.memory_space<vmem>>, vector<249984xf32>,
      %get3A_90 = arith.constant 249984 : index
      %get3A_91 = vector.load %arg2[%get3A_90] : memref<1000000xf32, #tpu.memory_space<vmem>>, vector<249984xf32>
      %get3A_92 = arith.constant 249984 : index
      %get3A_93 = vector.load %arg3[%get3A_92] : memref<1000000xf32, #tpu.memory_space<vmem>>, vector<249984xf32>
      %sub3A_94 = arith.subf %get3A_91, %get3A_93 : vector<249984xf32>
      %bitcast_convert_type3A_95 = tpu.bitcast %sub3A_94 : vector<249984xf32> -> vector<249984xi32>
      %add3A_96 = arith.constant 32768 : i32
      %add3A_97 = vector.broadcast %add3A_96 : i32 to vector<249984xi32>
      %add3A_98 = arith.addi %bitcast_convert_type3A_95, %add3A_97 : vector<249984xi32>
      %get3A_99 = arith.constant 749952 : index
      %get3A_100 = vector.load %arg2[%get3A_99] : memref<1000000xf32, #tpu.memory_space<vmem>>, vector<249984xf32>
      %get3A_101 = arith.constant 749952 : index
      %get3A_102 = vector.load %arg3[%get3A_101] : memref<1000000xf32, #tpu.memory_space<vmem>>, vector<249984xf32>
      %sub3A_103 = arith.subf %get3A_100, %get3A_102 : vector<249984xf32>
      %bitcast_convert_type3A_104 = tpu.bitcast %sub3A_103 : vector<249984xf32> -> vector<249984xi32>
      %add3A_105 = arith.constant 32768 : i32
      %add3A_106 = vector.broadcast %add3A_105 : i32 to vector<249984xi32>
      %add3A_107 = arith.addi %bitcast_convert_type3A_104, %add3A_106 : vector<249984xi32>
      %shift_right_logical3A_108 = arith.constant 16 : i32
      %shift_right_logical3A_109 = vector.broadcast %shift_right_logical3A_108 : i32 to vector<249984xi32>
      %shift_right_logical3A_110 = arith.shrui %add3A_98, %shift_right_logical3A_109 : vector<249984xi32>
      %and3A_111 = arith.constant -65536 : i32
      %and3A_112 = vector.broadcast %and3A_111 : i32 to vector<249984xi32>
      %and3A_113 = arith.andi %add3A_107, %and3A_112 : vector<249984xi32>
      %or3A_114 = arith.ori %shift_right_logical3A_110, %and3A_113 : vector<249984xi32>
      %bitcast_convert_type3A_115 = tpu.bitcast %or3A_114 : vector<249984xi32> -> vector<249984xf32>
      %swap3A_116 = arith.constant 249984 : index
      %swap3A_117 = vector.load %arg4[%swap3A_116] : memref<500096xf32, #tpu.memory_space<vmem>>, vector<249984xf32>
      tpu.vector_store %arg4[%swap3A_116], %bitcast_convert_type3A_115 {strides = array<i32>} : memref<500096xf32, #tpu.memory_space<vmem>>, vector<249984xf32>,
      %get3A_118 = arith.constant 999872 : index
      %get3A_119 = vector.load %arg2[%get3A_118] : memref<1000000xf32, #tpu.memory_space<vmem>>, vector<128xf32>
      %get3A_120 = arith.constant 999872 : index
      %get3A_121 = vector.load %arg3[%get3A_120] : memref<1000000xf32, #tpu.memory_space<vmem>>, vector<128xf32>
      %sub3A_122 = arith.subf %get3A_119, %get3A_121 : vector<128xf32>
      %bitcast_convert_type3A_123 = tpu.bitcast %sub3A_122 : vector<128xf32> -> vector<128xi32>
      %add3A_124 = arith.constant 32768 : i32
      %add3A_125 = vector.broadcast %add3A_124 : i32 to vector<128xi32>
      %add3A_126 = arith.addi %bitcast_convert_type3A_123, %add3A_125 : vector<128xi32>
      %shift_right_logical3A_127 = arith.constant 16 : i32
      %shift_right_logical3A_128 = vector.broadcast %shift_right_logical3A_127 : i32 to vector<128xi32>
      %shift_right_logical3A_129 = arith.shrui %add3A_126, %shift_right_logical3A_128 : vector<128xi32>
      %bitcast_convert_type3A_130 = tpu.bitcast %shift_right_logical3A_129 : vector<128xi32> -> vector<128xf32>
      %swap3A_131 = arith.constant 499968 : index
      %swap3A_132 = vector.load %arg4[%swap3A_131] : memref<500096xf32, #tpu.memory_space<vmem>>, vector<128xf32>
      tpu.vector_store %arg4[%swap3A_131], %bitcast_convert_type3A_130 {strides = array<i32>} : memref<500096xf32, #tpu.memory_space<vmem>>, vector<128xf32>,
      %mul3A_133 = arith.constant 500096 : i32
      %mul3A_134 = arith.muli %add3A_50, %mul3A_133 : i32
      %dma_start3A_135 = arith.constant 0 : i32
      %dma_start3A_136 = tpu.memref_slice %arg9[%dma_start3A_135] : memref<2x!tpu.dma_semaphore, #tpu.memory_space<semaphore_mem>> -> memref<1x!tpu.dma_semaphore, #tpu.memory_space<semaphore_mem>>
      %dma_start3A_137 = tpu.memref_squeeze %dma_start3A_136 : memref<1x!tpu.dma_semaphore, #tpu.memory_space<semaphore_mem>> -> memref<!tpu.dma_semaphore, #tpu.memory_space<semaphore_mem>>
      %dma_start3A_138 = tpu.memref_slice %arg1[%mul3A_134] : memref<13002496xf32, #tpu.memory_space<hbm>> -> memref<500096xf32, #tpu.memory_space<hbm>>
      tpu.enqueue_dma source(%arg4 : memref<500096xf32, #tpu.memory_space<vmem>>) target(%dma_start3A_138 : memref<500096xf32, #tpu.memory_space<hbm>>) target_semaphore(%dma_start3A_137 : memref<!tpu.dma_semaphore, #tpu.memory_space<semaphore_mem>>)
      %add3A_139 = arith.constant 2 : i32
      %add3A_140 = arith.addi %add3A_50, %add3A_139 : i32
      %lt3A = arith.constant 26 : i32
      %lt3A_141 = arith.cmpi slt, %add3A_140, %lt3A : i32
      %convert_element_type3A_142 = arith.extui %lt3A_141 : i1 to i32
      %cond3A_143 = arith.constant 0 : i32
      %cond3A_144 = arith.cmpi ne, %convert_element_type3A_142, %cond3A_143 : i32
      scf.if %cond3A_144 {
        %add3A_254 = arith.constant 2 : i32
        %add3A_255 = arith.addi %add3A_50, %add3A_254 : i32
        %dma_start3A_256 = arith.constant 0 : i32
        %dma_start3A_257 = arith.constant 0 : i32
        %dma_start3A_258 = arith.constant 0 : i32
        %dma_start3A_259 = tpu.memref_slice %arg8[%dma_start3A_257, %dma_start3A_258] : memref<2x2x!tpu.dma_semaphore, #tpu.memory_space<semaphore_mem>> -> memref<1x1x!tpu.dma_semaphore, #tpu.memory_space<semaphore_mem>>
        %dma_start3A_260 = tpu.memref_squeeze %dma_start3A_259 : memref<1x1x!tpu.dma_semaphore, #tpu.memory_space<semaphore_mem>> -> memref<!tpu.dma_semaphore, #tpu.memory_space<semaphore_mem>>
        %dma_start3A_261 = arith.constant 0 : i32
        %dma_start3A_262 = tpu.memref_slice %arg0[%add3A_255, %dma_start3A_256, %dma_start3A_261] : memref<26x2x1000000xf32, #tpu.memory_space<hbm>> -> memref<1x1x1000000xf32, #tpu.memory_space<hbm>>
        %dma_start3A_263 = tpu.memref_squeeze %dma_start3A_262 : memref<1x1x1000000xf32, #tpu.memory_space<hbm>> -> memref<1000000xf32, #tpu.memory_space<hbm>>
        tpu.enqueue_dma source(%dma_start3A_263 : memref<1000000xf32, #tpu.memory_space<hbm>>) target(%arg2 : memref<1000000xf32, #tpu.memory_space<vmem>>) target_semaphore(%dma_start3A_260 : memref<!tpu.dma_semaphore, #tpu.memory_space<semaphore_mem>>)
        %dma_start3A_264 = arith.constant 1 : i32
        %dma_start3A_265 = arith.constant 0 : i32
        %dma_start3A_266 = arith.constant 1 : i32
        %dma_start3A_267 = tpu.memref_slice %arg8[%dma_start3A_265, %dma_start3A_266] : memref<2x2x!tpu.dma_semaphore, #tpu.memory_space<semaphore_mem>> -> memref<1x1x!tpu.dma_semaphore, #tpu.memory_space<semaphore_mem>>
        %dma_start3A_268 = tpu.memref_squeeze %dma_start3A_267 : memref<1x1x!tpu.dma_semaphore, #tpu.memory_space<semaphore_mem>> -> memref<!tpu.dma_semaphore, #tpu.memory_space<semaphore_mem>>
        %dma_start3A_269 = arith.constant 0 : i32
        %dma_start3A_270 = tpu.memref_slice %arg0[%add3A_255, %dma_start3A_264, %dma_start3A_269] : memref<26x2x1000000xf32, #tpu.memory_space<hbm>> -> memref<1x1x1000000xf32, #tpu.memory_space<hbm>>
        %dma_start3A_271 = tpu.memref_squeeze %dma_start3A_270 : memref<1x1x1000000xf32, #tpu.memory_space<hbm>> -> memref<1000000xf32, #tpu.memory_space<hbm>>
        tpu.enqueue_dma source(%dma_start3A_271 : memref<1000000xf32, #tpu.memory_space<hbm>>) target(%arg3 : memref<1000000xf32, #tpu.memory_space<vmem>>) target_semaphore(%dma_start3A_268 : memref<!tpu.dma_semaphore, #tpu.memory_space<semaphore_mem>>)
      } else {
      }
      %mul3A_145 = arith.constant 2 : i32
      %mul3A_146 = arith.muli %mul3A_145, %scan3A_48 : i32
      %add3A_147 = arith.constant 1 : i32
      %add3A_148 = arith.addi %mul3A_146, %add3A_147 : i32
      %ge3A_149 = arith.constant 1 : i32
      %ge3A_150 = arith.cmpi sge, %scan3A_48, %ge3A_149 : i32
      %convert_element_type3A_151 = arith.extui %ge3A_150 : i1 to i32
      %cond3A_152 = arith.constant 0 : i32
      %cond3A_153 = arith.cmpi ne, %convert_element_type3A_151, %cond3A_152 : i32
      scf.if %cond3A_153 {
        %sub3A_254 = arith.constant 2 : i32
        %sub3A_255 = arith.subi %add3A_148, %sub3A_254 : i32
        %mul3A_256 = arith.constant 500096 : i32
        %mul3A_257 = arith.muli %sub3A_255, %mul3A_256 : i32
        %dma_wait3A_258 = arith.constant 1 : i32
        %dma_wait3A_259 = tpu.memref_slice %arg9[%dma_wait3A_258] : memref<2x!tpu.dma_semaphore, #tpu.memory_space<semaphore_mem>> -> memref<1x!tpu.dma_semaphore, #tpu.memory_space<semaphore_mem>>
        %dma_wait3A_260 = tpu.memref_squeeze %dma_wait3A_259 : memref<1x!tpu.dma_semaphore, #tpu.memory_space<semaphore_mem>> -> memref<!tpu.dma_semaphore, #tpu.memory_space<semaphore_mem>>
        %dma_wait3A_261 = tpu.memref_slice %arg1[%mul3A_257] : memref<13002496xf32, #tpu.memory_space<hbm>> -> memref<500096xf32, #tpu.memory_space<hbm>>
        tpu.wait_dma2 semaphore(%dma_wait3A_260 : memref<!tpu.dma_semaphore, #tpu.memory_space<semaphore_mem>>) src(%arg7 : memref<500096xf32, #tpu.memory_space<vmem>>) dst(%dma_wait3A_261 : memref<500096xf32, #tpu.memory_space<hbm>>)
      } else {
      }
      %dma_wait3A_154 = arith.constant 0 : i32
      %dma_wait3A_155 = arith.constant 1 : i32
      %dma_wait3A_156 = arith.constant 0 : i32
      %dma_wait3A_157 = tpu.memref_slice %arg8[%dma_wait3A_155, %dma_wait3A_156] : memref<2x2x!tpu.dma_semaphore, #tpu.memory_space<semaphore_mem>> -> memref<1x1x!tpu.dma_semaphore, #tpu.memory_space<semaphore_mem>>
      %dma_wait3A_158 = tpu.memref_squeeze %dma_wait3A_157 : memref<1x1x!tpu.dma_semaphore, #tpu.memory_space<semaphore_mem>> -> memref<!tpu.dma_semaphore, #tpu.memory_space<semaphore_mem>>
      %dma_wait3A_159 = arith.constant 0 : i32
      %dma_wait3A_160 = tpu.memref_slice %arg0[%add3A_148, %dma_wait3A_154, %dma_wait3A_159] : memref<26x2x1000000xf32, #tpu.memory_space<hbm>> -> memref<1x1x1000000xf32, #tpu.memory_space<hbm>>
      %dma_wait3A_161 = tpu.memref_squeeze %dma_wait3A_160 : memref<1x1x1000000xf32, #tpu.memory_space<hbm>> -> memref<1000000xf32, #tpu.memory_space<hbm>>
      tpu.wait_dma2 semaphore(%dma_wait3A_158 : memref<!tpu.dma_semaphore, #tpu.memory_space<semaphore_mem>>) src(%dma_wait3A_161 : memref<1000000xf32, #tpu.memory_space<hbm>>) dst(%arg5 : memref<1000000xf32, #tpu.memory_space<vmem>>)
      %dma_wait3A_162 = arith.constant 1 : i32
      %dma_wait3A_163 = arith.constant 1 : i32
      %dma_wait3A_164 = arith.constant 1 : i32
      %dma_wait3A_165 = tpu.memref_slice %arg8[%dma_wait3A_163, %dma_wait3A_164] : memref<2x2x!tpu.dma_semaphore, #tpu.memory_space<semaphore_mem>> -> memref<1x1x!tpu.dma_semaphore, #tpu.memory_space<semaphore_mem>>
      %dma_wait3A_166 = tpu.memref_squeeze %dma_wait3A_165 : memref<1x1x!tpu.dma_semaphore, #tpu.memory_space<semaphore_mem>> -> memref<!tpu.dma_semaphore, #tpu.memory_space<semaphore_mem>>
      %dma_wait3A_167 = arith.constant 0 : i32
      %dma_wait3A_168 = tpu.memref_slice %arg0[%add3A_148, %dma_wait3A_162, %dma_wait3A_167] : memref<26x2x1000000xf32, #tpu.memory_space<hbm>> -> memref<1x1x1000000xf32, #tpu.memory_space<hbm>>
      %dma_wait3A_169 = tpu.memref_squeeze %dma_wait3A_168 : memref<1x1x1000000xf32, #tpu.memory_space<hbm>> -> memref<1000000xf32, #tpu.memory_space<hbm>>
      tpu.wait_dma2 semaphore(%dma_wait3A_166 : memref<!tpu.dma_semaphore, #tpu.memory_space<semaphore_mem>>) src(%dma_wait3A_169 : memref<1000000xf32, #tpu.memory_space<hbm>>) dst(%arg6 : memref<1000000xf32, #tpu.memory_space<vmem>>)
      %get3A_170 = arith.constant 0 : index
      %get3A_171 = vector.load %arg5[%get3A_170] : memref<1000000xf32, #tpu.memory_space<vmem>>, vector<249984xf32>
      %get3A_172 = arith.constant 0 : index
      %get3A_173 = vector.load %arg6[%get3A_172] : memref<1000000xf32, #tpu.memory_space<vmem>>, vector<249984xf32>
      %sub3A_174 = arith.subf %get3A_171, %get3A_173 : vector<249984xf32>
      %bitcast_convert_type3A_175 = tpu.bitcast %sub3A_174 : vector<249984xf32> -> vector<249984xi32>
      %add3A_176 = arith.constant 32768 : i32
      %add3A_177 = vector.broadcast %add3A_176 : i32 to vector<249984xi32>
      %add3A_178 = arith.addi %bitcast_convert_type3A_175, %add3A_177 : vector<249984xi32>
      %get3A_179 = arith.constant 499968 : index
      %get3A_180 = vector.load %arg5[%get3A_179] : memref<1000000xf32, #tpu.memory_space<vmem>>, vector<249984xf32>
      %get3A_181 = arith.constant 499968 : index
      %get3A_182 = vector.load %arg6[%get3A_181] : memref<1000000xf32, #tpu.memory_space<vmem>>, vector<249984xf32>
      %sub3A_183 = arith.subf %get3A_180, %get3A_182 : vector<249984xf32>
      %bitcast_convert_type3A_184 = tpu.bitcast %sub3A_183 : vector<249984xf32> -> vector<249984xi32>
      %add3A_185 = arith.constant 32768 : i32
      %add3A_186 = vector.broadcast %add3A_185 : i32 to vector<249984xi32>
      %add3A_187 = arith.addi %bitcast_convert_type3A_184, %add3A_186 : vector<249984xi32>
      %shift_right_logical3A_188 = arith.constant 16 : i32
      %shift_right_logical3A_189 = vector.broadcast %shift_right_logical3A_188 : i32 to vector<249984xi32>
      %shift_right_logical3A_190 = arith.shrui %add3A_178, %shift_right_logical3A_189 : vector<249984xi32>
      %and3A_191 = arith.constant -65536 : i32
      %and3A_192 = vector.broadcast %and3A_191 : i32 to vector<249984xi32>
      %and3A_193 = arith.andi %add3A_187, %and3A_192 : vector<249984xi32>
      %or3A_194 = arith.ori %shift_right_logical3A_190, %and3A_193 : vector<249984xi32>
      %bitcast_convert_type3A_195 = tpu.bitcast %or3A_194 : vector<249984xi32> -> vector<249984xf32>
      %swap3A_196 = arith.constant 0 : index
      %swap3A_197 = vector.load %arg7[%swap3A_196] : memref<500096xf32, #tpu.memory_space<vmem>>, vector<249984xf32>
      tpu.vector_store %arg7[%swap3A_196], %bitcast_convert_type3A_195 {strides = array<i32>} : memref<500096xf32, #tpu.memory_space<vmem>>, vector<249984xf32>,
      %get3A_198 = arith.constant 249984 : index
      %get3A_199 = vector.load %arg5[%get3A_198] : memref<1000000xf32, #tpu.memory_space<vmem>>, vector<249984xf32>
      %get3A_200 = arith.constant 249984 : index
      %get3A_201 = vector.load %arg6[%get3A_200] : memref<1000000xf32, #tpu.memory_space<vmem>>, vector<249984xf32>
      %sub3A_202 = arith.subf %get3A_199, %get3A_201 : vector<249984xf32>
      %bitcast_convert_type3A_203 = tpu.bitcast %sub3A_202 : vector<249984xf32> -> vector<249984xi32>
      %add3A_204 = arith.constant 32768 : i32
      %add3A_205 = vector.broadcast %add3A_204 : i32 to vector<249984xi32>
      %add3A_206 = arith.addi %bitcast_convert_type3A_203, %add3A_205 : vector<249984xi32>
      %get3A_207 = arith.constant 749952 : index
      %get3A_208 = vector.load %arg5[%get3A_207] : memref<1000000xf32, #tpu.memory_space<vmem>>, vector<249984xf32>
      %get3A_209 = arith.constant 749952 : index
      %get3A_210 = vector.load %arg6[%get3A_209] : memref<1000000xf32, #tpu.memory_space<vmem>>, vector<249984xf32>
      %sub3A_211 = arith.subf %get3A_208, %get3A_210 : vector<249984xf32>
      %bitcast_convert_type3A_212 = tpu.bitcast %sub3A_211 : vector<249984xf32> -> vector<249984xi32>
      %add3A_213 = arith.constant 32768 : i32
      %add3A_214 = vector.broadcast %add3A_213 : i32 to vector<249984xi32>
      %add3A_215 = arith.addi %bitcast_convert_type3A_212, %add3A_214 : vector<249984xi32>
      %shift_right_logical3A_216 = arith.constant 16 : i32
      %shift_right_logical3A_217 = vector.broadcast %shift_right_logical3A_216 : i32 to vector<249984xi32>
      %shift_right_logical3A_218 = arith.shrui %add3A_206, %shift_right_logical3A_217 : vector<249984xi32>
      %and3A_219 = arith.constant -65536 : i32
      %and3A_220 = vector.broadcast %and3A_219 : i32 to vector<249984xi32>
      %and3A_221 = arith.andi %add3A_215, %and3A_220 : vector<249984xi32>
      %or3A_222 = arith.ori %shift_right_logical3A_218, %and3A_221 : vector<249984xi32>
      %bitcast_convert_type3A_223 = tpu.bitcast %or3A_222 : vector<249984xi32> -> vector<249984xf32>
      %swap3A_224 = arith.constant 249984 : index
      %swap3A_225 = vector.load %arg7[%swap3A_224] : memref<500096xf32, #tpu.memory_space<vmem>>, vector<249984xf32>
      tpu.vector_store %arg7[%swap3A_224], %bitcast_convert_type3A_223 {strides = array<i32>} : memref<500096xf32, #tpu.memory_space<vmem>>, vector<249984xf32>,
      %get3A_226 = arith.constant 999872 : index
      %get3A_227 = vector.load %arg5[%get3A_226] : memref<1000000xf32, #tpu.memory_space<vmem>>, vector<128xf32>
      %get3A_228 = arith.constant 999872 : index
      %get3A_229 = vector.load %arg6[%get3A_228] : memref<1000000xf32, #tpu.memory_space<vmem>>, vector<128xf32>
      %sub3A_230 = arith.subf %get3A_227, %get3A_229 : vector<128xf32>
      %bitcast_convert_type3A_231 = tpu.bitcast %sub3A_230 : vector<128xf32> -> vector<128xi32>
      %add3A_232 = arith.constant 32768 : i32
      %add3A_233 = vector.broadcast %add3A_232 : i32 to vector<128xi32>
      %add3A_234 = arith.addi %bitcast_convert_type3A_231, %add3A_233 : vector<128xi32>
      %shift_right_logical3A_235 = arith.constant 16 : i32
      %shift_right_logical3A_236 = vector.broadcast %shift_right_logical3A_235 : i32 to vector<128xi32>
      %shift_right_logical3A_237 = arith.shrui %add3A_234, %shift_right_logical3A_236 : vector<128xi32>
      %bitcast_convert_type3A_238 = tpu.bitcast %shift_right_logical3A_237 : vector<128xi32> -> vector<128xf32>
      %swap3A_239 = arith.constant 499968 : index
      %swap3A_240 = vector.load %arg7[%swap3A_239] : memref<500096xf32, #tpu.memory_space<vmem>>, vector<128xf32>
      tpu.vector_store %arg7[%swap3A_239], %bitcast_convert_type3A_238 {strides = array<i32>} : memref<500096xf32, #tpu.memory_space<vmem>>, vector<128xf32>,
      %mul3A_241 = arith.constant 500096 : i32
      %mul3A_242 = arith.muli %add3A_148, %mul3A_241 : i32
      %dma_start3A_243 = arith.constant 1 : i32
      %dma_start3A_244 = tpu.memref_slice %arg9[%dma_start3A_243] : memref<2x!tpu.dma_semaphore, #tpu.memory_space<semaphore_mem>> -> memref<1x!tpu.dma_semaphore, #tpu.memory_space<semaphore_mem>>
      %dma_start3A_245 = tpu.memref_squeeze %dma_start3A_244 : memref<1x!tpu.dma_semaphore, #tpu.memory_space<semaphore_mem>> -> memref<!tpu.dma_semaphore, #tpu.memory_space<semaphore_mem>>
      %dma_start3A_246 = tpu.memref_slice %arg1[%mul3A_242] : memref<13002496xf32, #tpu.memory_space<hbm>> -> memref<500096xf32, #tpu.memory_space<hbm>>
      tpu.enqueue_dma source(%arg7 : memref<500096xf32, #tpu.memory_space<vmem>>) target(%dma_start3A_246 : memref<500096xf32, #tpu.memory_space<hbm>>) target_semaphore(%dma_start3A_245 : memref<!tpu.dma_semaphore, #tpu.memory_space<semaphore_mem>>)
      %add3A_247 = arith.constant 2 : i32
      %add3A_248 = arith.addi %add3A_148, %add3A_247 : i32
      %lt3A_249 = arith.constant 26 : i32
      %lt3A_250 = arith.cmpi slt, %add3A_248, %lt3A_249 : i32
      %convert_element_type3A_251 = arith.extui %lt3A_250 : i1 to i32
      %cond3A_252 = arith.constant 0 : i32
      %cond3A_253 = arith.cmpi ne, %convert_element_type3A_251, %cond3A_252 : i32
      scf.if %cond3A_253 {
        %add3A_254 = arith.constant 2 : i32
        %add3A_255 = arith.addi %add3A_148, %add3A_254 : i32
        %dma_start3A_256 = arith.constant 0 : i32
        %dma_start3A_257 = arith.constant 1 : i32
        %dma_start3A_258 = arith.constant 0 : i32
        %dma_start3A_259 = tpu.memref_slice %arg8[%dma_start3A_257, %dma_start3A_258] : memref<2x2x!tpu.dma_semaphore, #tpu.memory_space<semaphore_mem>> -> memref<1x1x!tpu.dma_semaphore, #tpu.memory_space<semaphore_mem>>
        %dma_start3A_260 = tpu.memref_squeeze %dma_start3A_259 : memref<1x1x!tpu.dma_semaphore, #tpu.memory_space<semaphore_mem>> -> memref<!tpu.dma_semaphore, #tpu.memory_space<semaphore_mem>>
        %dma_start3A_261 = arith.constant 0 : i32
        %dma_start3A_262 = tpu.memref_slice %arg0[%add3A_255, %dma_start3A_256, %dma_start3A_261] : memref<26x2x1000000xf32, #tpu.memory_space<hbm>> -> memref<1x1x1000000xf32, #tpu.memory_space<hbm>>
        %dma_start3A_263 = tpu.memref_squeeze %dma_start3A_262 : memref<1x1x1000000xf32, #tpu.memory_space<hbm>> -> memref<1000000xf32, #tpu.memory_space<hbm>>
        tpu.enqueue_dma source(%dma_start3A_263 : memref<1000000xf32, #tpu.memory_space<hbm>>) target(%arg5 : memref<1000000xf32, #tpu.memory_space<vmem>>) target_semaphore(%dma_start3A_260 : memref<!tpu.dma_semaphore, #tpu.memory_space<semaphore_mem>>)
        %dma_start3A_264 = arith.constant 1 : i32
        %dma_start3A_265 = arith.constant 1 : i32
        %dma_start3A_266 = arith.constant 1 : i32
        %dma_start3A_267 = tpu.memref_slice %arg8[%dma_start3A_265, %dma_start3A_266] : memref<2x2x!tpu.dma_semaphore, #tpu.memory_space<semaphore_mem>> -> memref<1x1x!tpu.dma_semaphore, #tpu.memory_space<semaphore_mem>>
        %dma_start3A_268 = tpu.memref_squeeze %dma_start3A_267 : memref<1x1x!tpu.dma_semaphore, #tpu.memory_space<semaphore_mem>> -> memref<!tpu.dma_semaphore, #tpu.memory_space<semaphore_mem>>
        %dma_start3A_269 = arith.constant 0 : i32
        %dma_start3A_270 = tpu.memref_slice %arg0[%add3A_255, %dma_start3A_264, %dma_start3A_269] : memref<26x2x1000000xf32, #tpu.memory_space<hbm>> -> memref<1x1x1000000xf32, #tpu.memory_space<hbm>>
        %dma_start3A_271 = tpu.memref_squeeze %dma_start3A_270 : memref<1x1x1000000xf32, #tpu.memory_space<hbm>> -> memref<1000000xf32, #tpu.memory_space<hbm>>
        tpu.enqueue_dma source(%dma_start3A_271 : memref<1000000xf32, #tpu.memory_space<hbm>>) target(%arg6 : memref<1000000xf32, #tpu.memory_space<vmem>>) target_semaphore(%dma_start3A_268 : memref<!tpu.dma_semaphore, #tpu.memory_space<semaphore_mem>>)
      } else {
      }
    }
    %scan3A_38 = arith.constant 13 : i32
    %dma_wait3A = arith.constant 0 : i32
    %dma_wait3A_39 = tpu.memref_slice %arg9[%dma_wait3A] : memref<2x!tpu.dma_semaphore, #tpu.memory_space<semaphore_mem>> -> memref<1x!tpu.dma_semaphore, #tpu.memory_space<semaphore_mem>>
    %dma_wait3A_40 = tpu.memref_squeeze %dma_wait3A_39 : memref<1x!tpu.dma_semaphore, #tpu.memory_space<semaphore_mem>> -> memref<!tpu.dma_semaphore, #tpu.memory_space<semaphore_mem>>
    %dma_wait3A_41 = arith.constant 12002304 : i32
    %dma_wait3A_42 = tpu.memref_slice %arg1[%dma_wait3A_41] : memref<13002496xf32, #tpu.memory_space<hbm>> -> memref<500096xf32, #tpu.memory_space<hbm>>
    tpu.wait_dma2 semaphore(%dma_wait3A_40 : memref<!tpu.dma_semaphore, #tpu.memory_space<semaphore_mem>>) src(%arg4 : memref<500096xf32, #tpu.memory_space<vmem>>) dst(%dma_wait3A_42 : memref<500096xf32, #tpu.memory_space<hbm>>)
    %dma_wait3A_43 = arith.constant 1 : i32
    %dma_wait3A_44 = tpu.memref_slice %arg9[%dma_wait3A_43] : memref<2x!tpu.dma_semaphore, #tpu.memory_space<semaphore_mem>> -> memref<1x!tpu.dma_semaphore, #tpu.memory_space<semaphore_mem>>
    %dma_wait3A_45 = tpu.memref_squeeze %dma_wait3A_44 : memref<1x!tpu.dma_semaphore, #tpu.memory_space<semaphore_mem>> -> memref<!tpu.dma_semaphore, #tpu.memory_space<semaphore_mem>>
    %dma_wait3A_46 = arith.constant 12502400 : i32
    %dma_wait3A_47 = tpu.memref_slice %arg1[%dma_wait3A_46] : memref<13002496xf32, #tpu.memory_space<hbm>> -> memref<500096xf32, #tpu.memory_space<hbm>>
    tpu.wait_dma2 semaphore(%dma_wait3A_45 : memref<!tpu.dma_semaphore, #tpu.memory_space<semaphore_mem>>) src(%arg7 : memref<500096xf32, #tpu.memory_space<vmem>>) dst(%dma_wait3A_47 : memref<500096xf32, #tpu.memory_space<hbm>>)
    return
  }
}

</mosaic_0001>

<sc_bundles>
// kernel: kernel.4.cloned.1.call-start
scs
__scs_entry_jumppad:
0x0: {  	(pc) =	sbr.rel $0x88, $3  }
0x1: {  	(tag) =	ssettag $0x0;
	lr =	simm.s32 $0x1  }
0x2: {  	[smem:$0x3F9E] =	sst lr;
	_ =	strace $0xD0000000  }
0x3: {  	_ = 	snop  }
0x4: {  	_ = 	snop  }
0x5: {  	_ = 	snop  }
0x6: {  	_ = 	snop  }
0x7: {  	_ = 	snop  }
__scs_overlays_trampoline_lowered:
0x8: {  	[smem:$0x3FAD] =	sst s0  }
0x9: {  	[smem:$0x3FAE] =	sst s1  }
0xa: {  	[smem:$0x3FAF] =	sst s2  }
0xb: {  	[smem:$0x3FB0] =	sst s3  }
0xc: {  	[smem:$0x3FB1] =	sst s4  }
0xd: {  	[smem:$0x3FB2] =	sst s5  }
0xe: {  	[smem:$0x3FB3] =	sst s6  }
0xf: {  	[smem:$0x3FB4] =	sst s7  }
0x10: {  	[smem:$0x3FB5] =	sst s8  }
0x11: {  	[smem:$0x3FB6] =	sst s9;
	s0 =	simm.s32 @!p0 $0x0  }
0x12: {  	s1 =	sld [smem:$0x3F9C];
	s0 =	simm.s32 @p0 $0x1  }
0x13: {  	[smem:$0x3FB7] =	sst s0;
	s0 =	simm.s32 @!p1 $0x0  }
0x14: {  	s2 =	sld [smem:$0x3F9B];
	s0 =	simm.s32 @p1 $0x1  }
0x15: {  	[smem:$0x3FB8] =	sst s0;
	s0 =	simm.s32 @!p2 $0x0  }
0x16: {  	s3 =	sld [smem:$0x3FDB];
	s0 =	simm.s32 @p2 $0x1  }
0x17: {  	s4 =	simm.s32 $0x1BF5;
	[smem:$0x3FBA] =	sst s0  }
0x18: {  	s0 =	sld [smem:$0x3F9D];
	_ =	swait.ge [sflag:s4], $0x0  }
0x19: {  	s7 =	sld [smem:$0x3F9E]  }
0x1a: {  	s8 =	sadd.s32 $0xFFFFE003, lr  }
0x1b: {  	s9 =	sadd.s32 $0xFFFFFEF7, lr;
	s5 =	simm.s32 $0xFFFFFFFF;
	p2 =	slt.u32 s8, $0xFFFFF086  }
0x1c: {  	p1 =	slt.u32 s9, $0xF7A;
	s5 =	simm.s32 @!p2 $0x0  }
0x1d: {  	s5 =	simm.s32 @p1 $0x1;
	p0 =	seq.s32 s7, s2  }
0x1e: {  	s7 =	smul.u32 @!p0 $0xF7A, s2;
	p2 =	seq.s32 @!p0 s5, $0x0  }
0x1f: {  	s9 =	smul.u32 $0xF7A, s1;
	s8 =	simm.s32 @!p0 $0x1BF5;
	p2 =	por !p2, p0  }
0x20: {  	[sflag:s8] =	ssyncset.s32 @!p0 $0xFFFFF086;
	s6 =	sadd.s32 @!p0 s3, s7;
	s7 =	simm.s32 @!p0 $0x108  }
0x21: {  	s3 =	sadd.s32 s3, s9;
	s6 =	sadd.s32 @!p0 $0x88, s6;
	s7 =	simm.s32 @p2 $0x1082  }
0x22: {  	[simem:s7], [sflag:s8] =	dma.local @!p0 [hbm:s6], $0xF7A  }
0x23: {  	s9 =	sor.u32 $0xD0000000, s2;
	s6 =	simm.s32 $0x108;
	_ =	swait.ge @!p0 [sflag:s8], $0x0  }
0x24: {  	s3 =	sadd.s32 $0x88, s3;
	s6 =	simm.s32 @!p1 $0x1082;
	[sflag:s4] =	ssyncset.s32 $0xFFFFF086  }
0x25: {  	[simem:s6], [sflag:s4] =	dma.local [hbm:s3], $0xF7A  }
0x26: {  	[smem:$0x3F9E] =	sst s1;
	(tag) =	ssettag s2;
	_ =	strace s9  }
0x27: {  	s1 =	sld [smem:$0x3FAE]  }
0x28: {  	s2 =	sld [smem:$0x3FAF]  }
0x29: {  	s4 =	sld [smem:$0x3FB1]  }
0x2a: {  	p0 =	seq.s32 s5, $0x0;
	s5 =	sld [smem:$0x3FB2]  }
0x2b: {  	s6 =	sld [smem:$0x3FB3]  }
0x2c: {  	s7 =	sld [smem:$0x3FB4]  }
0x2d: {  	s3 =	simm.s32 $0x108;
	s8 =	sld [smem:$0x3FB5]  }
0x2e: {  	s3 =	simm.s32 @!p0 $0x1082;
	s9 =	sld [smem:$0x3FB6]  }
0x2f: {  	lr =	sadd.s32 s0, s3;
	s0 =	sld [smem:$0x3FAD]  }
0x30: {  	s3 =	sld [smem:$0x3FB0]  }
0x31: {  	[smem:$0x3FB9] =	sst s10  }
0x32: {  	s10 =	sld [smem:$0x3FB7];
	_ =	sdelay $0x3  }
0x33: {  	p0 =	seq.s32 s10, $0x1;
	s10 =	sld [smem:$0x3FB9];
	_ =	sdelay $0x3  }
0x34: {  	[smem:$0x3FB9] =	sst s10  }
0x35: {  	s10 =	sld [smem:$0x3FB8];
	_ =	sdelay $0x3  }
0x36: {  	p1 =	seq.s32 s10, $0x1;
	s10 =	sld [smem:$0x3FB9];
	_ =	sdelay $0x3  }
0x37: {  	[smem:$0x3FB9] =	sst s10  }
0x38: {  	s10 =	sld [smem:$0x3FBA]  }
0x39: {  	_ = 	snop;
	(pc) =	sbr.ind lr, $3  }
0x3a: {  	_ = 	snop  }
0x3b: {  	_ = 	snop  }
0x3c: {  	p2 =	seq.s32 s10, $0x1;
	s10 =	sld [smem:$0x3FB9]  }
0x3d: {  	_ =	shalt  }
0x3e: {  	_ =	shalt  }
0x3f: {  	_ =	shalt  }
0x40: {  	_ =	shalt  }
0x41: {  	_ =	shalt  }
0x42: {  	_ =	shalt  }
0x43: {  	_ =	shalt  }
0x44: {  	_ =	shalt  }
0x45: {  	_ =	shalt  }
0x46: {  	_ =	shalt  }
0x47: {  	_ =	shalt  }
0x48: {  	_ =	shalt  }
0x49: {  	_ =	shalt  }
0x4a: {  	_ =	shalt  }
0x4b: {  	_ =	shalt  }
0x4c: {  	_ =	shalt  }
0x4d: {  	_ =	shalt  }
0x4e: {  	_ =	shalt  }
0x4f: {  	_ =	shalt  }
0x50: {  	_ =	shalt  }
0x51: {  	_ =	shalt  }
0x52: {  	_ =	shalt  }
0x53: {  	_ =	shalt  }
0x54: {  	_ =	shalt  }
0x55: {  	_ =	shalt  }
0x56: {  	_ =	shalt  }
0x57: {  	_ =	shalt  }
0x58: {  	_ =	shalt  }
0x59: {  	_ =	shalt  }
0x5a: {  	_ =	shalt  }
0x5b: {  	_ =	shalt  }
0x5c: {  	_ =	shalt  }
0x5d: {  	_ =	shalt  }
0x5e: {  	_ =	shalt  }
0x5f: {  	_ =	shalt  }
0x60: {  	_ =	shalt  }
0x61: {  	_ =	shalt  }
0x62: {  	_ =	shalt  }
0x63: {  	_ =	shalt  }
0x64: {  	_ =	shalt  }
0x65: {  	_ =	shalt  }
0x66: {  	_ =	shalt  }
0x67: {  	_ =	shalt  }
0x68: {  	_ =	shalt  }
0x69: {  	_ =	shalt  }
0x6a: {  	_ =	shalt  }
0x6b: {  	_ =	shalt  }
0x6c: {  	_ =	shalt  }
0x6d: {  	_ =	shalt  }
0x6e: {  	_ =	shalt  }
0x6f: {  	_ =	shalt  }
0x70: {  	_ =	shalt  }
0x71: {  	_ =	shalt  }
0x72: {  	_ =	shalt  }
0x73: {  	_ =	shalt  }
0x74: {  	_ =	shalt  }
0x75: {  	_ =	shalt  }
0x76: {  	_ =	shalt  }
0x77: {  	_ =	shalt  }
0x78: {  	_ =	shalt  }
0x79: {  	_ =	shalt  }
0x7a: {  	_ =	shalt  }
0x7b: {  	_ =	shalt  }
0x7c: {  	_ =	shalt  }
0x7d: {  	_ =	shalt  }
0x7e: {  	_ =	shalt  }
0x7f: {  	_ =	shalt  }
0x80: {  	_ =	shalt  }
0x81: {  	_ =	shalt  }
0x82: {  	_ =	shalt  }
0x83: {  	_ =	shalt  }
0x84: {  	_ =	shalt  }
0x85: {  	_ =	shalt  }
0x86: {  	_ =	shalt  }
0x87: {  	_ =	shalt  }
.Lfunc_end0:
.L_simem_size_0:
called_computation_lowered:
.L_overlay_start_0:
0x88: {  	s2 =	sld [smem:$0x3FD9]  }
0x89: {  	s3 =	sld [smem:$0x3FFE];
	_ =	sdelay $0x1  }
0x8a: {  	s1 =	srdreg.scid  }
0x8b: {  	s0 =	sand.u32 $0x1, s1  }
0x8c: {  	s17 =	sshll.u32 s0, $0xA;
	s2 =	sadd.s32 s3, s2  }
0x8d: {  	s2 =	sadd.s32 s2, s17  }
0x8e: {  	[smem:$0x3FC5] =	sst s2  }
0x8f: {  	_ = 	snop  }
0x90: {  	s2 =	sld [smem:$0x3FD0];
	(tm) =	ssettm $0x1  }
0x91: {  	s18 =	sld [smem:$0x3FFB];
	_ =	sdelay $0x3  }
0x92: {  	_ =	strace s18  }
0x93: {  	s3 =	sld [smem:$0x3FFC];
	_ =	sdelay $0x3  }
0x94: {  	_ =	strace s3  }
0x95: {  	s3 =	sld [smem:$0x3FFD];
	_ =	sdelay $0x3  }
0x96: {  	_ =	strace s3  }
0x97: {  	_ =	strace $0x8FFFFFFF  }
0x98: {  	s19 =	sld [smem:$0x3FDB];
	_ =	sdelay $0x1  }
0x99: {  	s4 =	simm.s32 $_scs_section_size  }
0x9a: {  	s5 =	simm.s32 $_size__tile_overlayer_lowered;
	s6 =	simm.s32 $_tile_overlayer_lowered  }
0x9b: {  	s22 =	simm.s32 $0x1BFF;
	s21 =	sshll.u32 s6, $0x1;
	s3 =	sadd.s32 s4, s19  }
0x9c: {  	s7 =	simm.s32 $0x0;
	s20 =	sshll.u32 s5, $0x1;
	s5 =	sadd.s32 s21, s3  }
0x9d: {  	[timem:s7], [sflag:s22] =	dma.local [hbm:s5], s20  }
0x9e: {  	_ =	swait.ge [sflag:s22], s20  }
0x9f: {  	s4 =	ssub.s32 $0x0, s20;
	[sflag:s22] =	ssyncset.done $0x0  }
0xa0: {  	[sflag:s22] =	ssyncadd.s32 s4;
	_ =	sdelay $0x1  }
0xa1: {  	s23 =	simm.s32 $0x1B8B  }
0xa2: {  	_ =	swait.ge [sflag:s23], $0x1  }
0xa3: {  	[sflag:s23] =	ssyncset.done $0x0  }
0xa4: {  	s25 =	simm.s32 $0x1B8E;
	s24 =	sld [smem:$0x3FFE];
	[sflag:s23] =	ssyncadd.s32 $0xFFFFFFFF  }
0xa5: {  	s26 =	simm.s32 $execute0_lowered;
	[smem:$0x3FD2] =	sst s25  }
0xa6: {  	s5 =	sshll.u32 s26, $0x1;
	_ =	strace $0x80000046;
	[dreg:$0x1] =	wrdreg $0xFFFFFFFF  }
0xa7: {  	s28 =	simm.s32 $_size_execute0_lowered;
	s3 =	sadd.s32 s3, s5;
	[dreg:$0x0] =	wrdreg $0x0  }
0xa8: {  	s5 =	sshll.u32 s28, $0x1;
	[dreg:$0x2] =	wrdreg s3  }
0xa9: {  	[dreg:$0x3] =	wrdreg s5  }
0xaa: {  	[dreg:$0x4] =	wrdreg $0xC0  }
0xab: {  	_ =	task [dreg:s7], $0x5FFFF  }
0xac: {  	[dreg:$0x1] =	wrdreg $0xFFFFFFFF  }
0xad: {  	[dreg:$0x0] =	wrdreg $0x60  }
0xae: {  	[dreg:$0x2] =	wrdreg s24  }
0xaf: {  	[dreg:$0x3] =	wrdreg s2  }
0xb0: {  	[dreg:$0x4] =	wrdreg $0x9  }
0xb1: {  	_ =	task.clear_ibuf [dreg:s7], $0x5FFFF;
	_ =	strace $0x90000046  }
0xb2: {  	s29 =	simm.s32 $0x9;
	_ =	strace $0x80000048  }
0xb3: {  	_ =	swait.ge [sflag:s29], $0x1  }
0xb4: {  	[sflag:s29] =	ssyncadd.s32 $0xFFFFFFFF  }
0xb5: {  	_ =	strace $0x90000048  }
0xb6: {  	_ =	sfence  }
0xb7: {  	s30 =	sld [smem:$0x0];
	_ =	sdelay $0x2  }
0xb8: {  	s31 =	sshll.u32 s1, $0xD;
	s1 =	sshrl.u32 s1, $0x2  }
0xb9: {  	s3 =	sand.u32 $0x4000, s31;
	s1 =	sadd.s32 s1, s30  }
0xba: {  	s0 =	sor.u32 s3, s0;
	s1 =	sshll.u32 s1, $0x11  }
0xbb: {  	s0 =	sor.u32 s1, s0  }
0xbc: {  	s0 =	sadd.s32 $0x8F2B, s0  }
0xbd: {  	[sflag:s0] =	ssyncadd.remote.s32 $0x1  }
0xbe: {  	_ =	sfence.sel $0xFFFF  }
0xbf: {  	[dreg:$0x0] =	wrdreg $0xFFFFFFFF;
	(pc) =	sbr.abs _section_cstart, $3  }
0xc0: {  	[dreg:$0x1] =	wrdreg $0xFFFFFFFF  }
0xc1: {  	_ =	task.clear_ibuf [dreg:s7], $0x2FFFF;
	_ =	strace $0x9FFFFFFF  }
0xc2: {  	(tm) =	ssettm $0x7FFFFFFF  }
0xc3: {  	_ =	shalt  }
tec
execute0_lowered:
.L_overlay_start_1:
0x0: {  	(tag) =	ssettag $0x1  }
0x1: {  	s4 =	rddreg [dreg:$0x0]  }
0x2: {  	s1 =	srdreg.scid;
	s0 =	stileid.u32  }
0x3: {  	s6 =	rddreg [dreg:$0x1];
	s2 =	simm.s32 $0x0;
	s10 =	simm.s32 $0x3400  }
0x4: {  	s11 =	simm.s32 $0x6800;
	s12 =	simm.s32 $0x9C00;
	s13 =	simm.s32 $0x1  }
0x5: {  	s14 =	simm.s32 $0xD010;
	s5 =	sand.u32 $0x1, s1;
	s3 =	sshll.u32 s0, $0x1  }
0x6: {  	s15 =	simm.s32 $0x0;
	s1 =	rddreg [dreg:$0x2];
	s7 =	sor.u32 s5, s3  }
0x7: {  	[smem:$0x7FF] =	sst s2;
	s5 =	ssub.s32 $0x2, s5;
	s3 =	smul.u32 $0x680, s7  }
0x8: {  	_ =	strace $0x80000047;
	s9 =	sshrl.u32 s5, $0x1;
	s7 =	sshll.u32 s7, $0x7  }
0x9: {  	s9 =	ssub.s32 s5, s9;
	s6 =	sadd.s32 s6, s7;
	s8 =	sadd.s32 s3, s4  }
0xa: {  	v3 =	vlaneseq.u32;
	v1 =	vimm.s32 $0x0;
	s3 =	sadd.s32 $0xD400, s4;
	s4 =	sadd.s32 $0x19A200, s4;
	s7 =	smax.u32 s9, $0x1  }
0xb: {  	v2 =	vimm.s32 $0x1;
	v0 =	vmul.u32 $0x1A, v3;
	v3 =	vmul.u32 $0x2, v3;
	s9 =	simm.s32 $0xD000;
	s5 =	sadd.s32 $0x400, s8;
	s8 =	simm.s32 $0x2  }
.LBB2_1:
0xc: {  	s16 =	simm.s32 $0x0  }
0xd: {  	v4 =	vmov s16  }
0xe: {  	v4 =	vmul.u32 $0x1A, v4  }
0xf: {  	s31 =	simm.s32 $0x0  }
0x10: {  	[tilespmem:s2], [sflag:$0x2] =	stream.linear.gather [hbm4b:s5+s2], $0x3400, $0x38;
	v4 =	vadd.s32 s31, v4;
	[tilespmem:$0xD410] =	vst v63  }
0x11: {  	_ =	swait.ge [sflag:s8], $0x3400;
	v4 =	vbroadcast v4, $0x0  }
0x12: {  	[sflag:s8] =	ssyncset.done $0x0  }
0x13: {  	[sflag:s8] =	ssyncadd.s32 $0xFFFFCC00;
	v4 =	vadd.s32 v0, v4  }
0x14: {  	[tilespmem:s9], [sflag:$0x2] =	stream.linear.gather [hbm4b:s4+s2], $0x10, $0x38;
	[tilespmem:$0xD410] =	vst v63  }
0x15: {  	_ =	swait.ge [sflag:s8], $0x10  }
0x16: {  	[sflag:s8] =	ssyncset.done $0x0  }
0x17: {  	[sflag:s8] =	ssyncadd.s32 $0xFFFFFFF0  }
0x18: {  	s17 =	simm.s32 $0x10;
	v4 =	vld.idx.msk [tilespmem:v4+s2+$0x0], $0xffff  }
0x19: {  	v5 =	vmov s17  }
0x1a: {  	v5 =	vmul.u32 $0x1A, v5  }
0x1b: {  	s18 =	simm.s32 $0x0  }
0x1c: {  	v5 =	vadd.s32 s18, v5  }
0x1d: {  	v5 =	vbroadcast v5, $0x0;
	vm0 =	vgt.s32 v4, $0x7A0FF  }
0x1e: {  	s23 =	simm.s32 $0x3;
	s24 =	simm.s32 $0x0;
	v6 =	vadd.s32 $0xFFF85F00, v4;
	vm1 =	vgt.s32 v4, $0xF41FF;
	v7 =	vadd.s32 $0xFFF85F40, v4  }
0x1f: {  	s20 =	simm.s32 $0x20;
	s19 =	simm.s32 $0x3400;
	s21 =	simm.s32 $0x6800;
	vm2 =	vlt.u32 v6, $0x7A100;
	v6 =	vsel vm0, v6, v4;
	v4 =	vadd.s32 v0, v5  }
0x20: {  	s22 =	smul.u32 $0x7A180, s31;
	s17 =	simm.s32 $0x0;
	s16 =	simm.s32 $0x6810;
	v5 =	vsel vm1, v7, v6;
	v6 =	vsel vm2, $0x1, v1  }
.LBB2_2:
0x21: {  	s24 =	ssub.s32 s20, s24  }
0x22: {  	[tilespmem:s19+$0x0] =	vst v6;
	v5 =	vadd.s32 s22, v5;
	s19 =	sadd.s32 $0x10, s19;
	s25 =	smov.u32 s23;
	s26 =	sadd.s32 $0x1, s23  }
0x23: {  	p0 =	sne.s32 s23, $0x33F;
	v6 =	vmov s24;
	[tilespmem:s21+$0x0] =	vst v5;
	s21 =	smov.u32 s16  }
0x24: {  	v5 =	vmul.u32 $0x1A, v6;
	v6 =	vld.idx.msk [tilespmem:v4+s2+$0x0], $0xffff;
	_ =	sdelay $0x1  }
0x25: {  	v4 =	vadd.s32 s17, v5  }
0x26: {  	v4 =	vbroadcast v4, $0x0  }
.Ltmp0:
0x27: {  	(pc) =	sbr.rel @p0 .LBB2_2-.Ltmp0, $4  }
0x28: {  	v4 =	vadd.s32 v0, v4  }
0x29: {  	s22 =	smul.u32 $0x7A180, s18;
	s18 =	smov.u32 s17;
	vm0 =	vgt.s32 v6, $0x7A0FF;
	v5 =	vadd.s32 $0xFFF85F00, v6;
	vm1 =	vgt.s32 v6, $0xF41FF  }
0x2a: {  	s20 =	sadd.s32 $0x10, s20;
	s17 =	sshrl.u32 s25, $0x5;
	v7 =	vadd.s32 $0xFFF85F40, v6;
	vm2 =	vlt.u32 v5, $0x7A100;
	v5 =	vsel vm0, v5, v6  }
0x2b: {  	s16 =	sadd.s32 $0x10, s16;
	s23 =	smov.u32 s26;
	s24 =	sshll.u32 s17, $0x9;
	v5 =	vsel vm1, v7, v5;
	v6 =	vsel vm2, $0x1, v1  }
0x2c: {  	_ = 	snop  }
0x2d: {  	s20 =	ssub.s32 s20, s24  }
0x2e: {  	[tilespmem:s19+$0x0] =	vst v6;
	v5 =	vadd.s32 s22, v5;
	v6 =	vmov s20  }
0x2f: {  	[tilespmem:s21+$0x0] =	vst v5;
	v5 =	vmul.u32 $0x1A, v6  }
0x30: {  	v4 =	vld.idx.msk [tilespmem:v4+s2+$0x0], $0xffff  }
0x31: {  	v5 =	vadd.s32 s17, v5  }
0x32: {  	v5 =	vbroadcast v5, $0x0;
	_ =	sdelay $0x1  }
0x33: {  	v5 =	vadd.s32 v0, v5  }
0x34: {  	vm0 =	vgt.s32 v4, $0x7A0FF;
	v6 =	vadd.s32 $0xFFF85F00, v4;
	vm1 =	vgt.s32 v4, $0xF41FF  }
0x35: {  	s18 =	smul.u32 $0x7A180, s18;
	v7 =	vadd.s32 $0xFFF85F40, v4;
	vm2 =	vlt.u32 v6, $0x7A100;
	v4 =	vsel vm0, v6, v4  }
0x36: {  	s28 =	sadd.s32 $0x10, s19;
	v4 =	vsel vm1, v7, v4;
	v6 =	vsel vm2, $0x1, v1  }
0x37: {  	[tilespmem:s28+$0x0] =	vst v6;
	v4 =	vadd.s32 s18, v4  }
0x38: {  	[tilespmem:s16+$0x0] =	vst v4  }
0x39: {  	v4 =	vld.idx.msk [tilespmem:v5+s2+$0x0], $0xffff;
	_ =	sdelay $0x4  }
0x3a: {  	vm13 =	vgt.s32 v4, $0x7A0FF;
	v5 =	vadd.s32 $0xFFF85F00, v4;
	vm14 =	vgt.s32 v4, $0xF41FF  }
0x3b: {  	s29 =	smul.u32 $0x7A180, s17;
	v6 =	vadd.s32 $0xFFF85F40, v4;
	vm15 =	vlt.u32 v5, $0x7A100;
	v4 =	vsel vm13, v5, v4  }
0x3c: {  	s30 =	sadd.s32 $0x10, s28;
	v4 =	vsel vm14, v6, v4;
	v5 =	vsel vm15, $0x1, v1  }
0x3d: {  	s31 =	sadd.s32 $0x10, s16;
	[tilespmem:s30+$0x0] =	vst v5;
	v4 =	vadd.s32 s29, v4  }
0x3e: {  	[tilespmem:s31+$0x0] =	vst v4  }
0x3f: {  	[tilespmem:s12], [sflag:$0x1] =	stream.indirect.gather [hbm4b:s3+s10], $0x1, s11, s10, $0xb8;
	[tilespmem:$0xD410] =	vst v63  }
0x40: {  	_ =	swait.ge [sflag:s13], $0x3400  }
0x41: {  	[sflag:s13] =	ssyncset.done $0x0  }
0x42: {  	[sflag:s13] =	ssyncadd.s32 $0xFFFFCC00  }
0x43: {  	v4 =	vld.msk [tilespmem:s9+$0x0], $0xffff  }
0x44: {  	v5 =	vld.idx.msk [tilespmem:v2+s9+$0x0], $0xffff;
	_ =	sdelay $0x1  }
0x45: {  	s18 =	simm.s32 $0x4E00  }
0x46: {  	s17 =	simm.s32 $0xB600;
	v6 =	vld [tilespmem:s18+$0xFFFFE600]  }
0x47: {  	v7 =	vld [tilespmem:s17+$0xFFFFE600]  }
0x48: {  	s19 =	simm.s32 $0x10;
	s16 =	simm.s32 $0x0;
	v4 =	vsub.f32 v4, v5;
	v5 =	vld [tilespmem:s18+$0xFFFFE800]  }
.LBB2_4:
0x49: {  	p0 =	sne.s32 s19, $0x1F0;
	v8 =	vld [tilespmem:s17+$0xFFFFE800]  }
0x4a: {  	v9 =	vld [tilespmem:s18+$0xFFFFEA00]  }
0x4b: {  	v10 =	vld [tilespmem:s17+$0xFFFFEA00]  }
0x4c: {  	vm0 =	veq.s32 v6, $0x1;
	v6 =	vand.u32 $0xFFFF0000, v7;
	v7 =	vshll.u32 v7, $0x10;
	v11 =	vld [tilespmem:s18+$0xFFFFEC00]  }
0x4d: {  	v6 =	vsel vm0, v6, v7;
	vm0 =	veq.s32 v5, $0x1;
	v5 =	vld [tilespmem:s17+$0xFFFFEC00]  }
0x4e: {  	v6 =	vadd.f32 $0.0e+00, v6;
	v7 =	vand.u32 $0xFFFF0000, v8;
	v8 =	vshll.u32 v8, $0x10;
	v12 =	vld [tilespmem:s18+$0xFFFFEE00]  }
0x4f: {  	v7 =	vsel vm0, v7, v8;
	vm0 =	veq.s32 v9, $0x1;
	v8 =	vld [tilespmem:s17+$0xFFFFEE00]  }
0x50: {  	v6 =	vadd.f32 v7, v6;
	v7 =	vand.u32 $0xFFFF0000, v10;
	v9 =	vshll.u32 v10, $0x10;
	v10 =	vld [tilespmem:s18+$0xFFFFF000]  }
0x51: {  	v7 =	vsel vm0, v7, v9;
	vm0 =	veq.s32 v11, $0x1;
	v9 =	vld [tilespmem:s17+$0xFFFFF000]  }
0x52: {  	v6 =	vadd.f32 v7, v6;
	v7 =	vand.u32 $0xFFFF0000, v5;
	v5 =	vshll.u32 v5, $0x10;
	v11 =	vld [tilespmem:s18+$0xFFFFF200]  }
0x53: {  	v5 =	vsel vm0, v7, v5;
	vm0 =	veq.s32 v12, $0x1;
	v7 =	vld [tilespmem:s17+$0xFFFFF200]  }
0x54: {  	v5 =	vadd.f32 v5, v6;
	v6 =	vand.u32 $0xFFFF0000, v8;
	v8 =	vshll.u32 v8, $0x10;
	v12 =	vld [tilespmem:s18+$0xFFFFF400]  }
0x55: {  	v6 =	vsel vm0, v6, v8;
	vm0 =	veq.s32 v10, $0x1;
	v8 =	vld [tilespmem:s17+$0xFFFFF400]  }
0x56: {  	v5 =	vadd.f32 v6, v5;
	v6 =	vand.u32 $0xFFFF0000, v9;
	v9 =	vshll.u32 v9, $0x10;
	v10 =	vld [tilespmem:s18+$0xFFFFF600]  }
0x57: {  	v6 =	vsel vm0, v6, v9;
	vm0 =	veq.s32 v11, $0x1;
	v9 =	vld [tilespmem:s17+$0xFFFFF600]  }
0x58: {  	v5 =	vadd.f32 v6, v5;
	v6 =	vand.u32 $0xFFFF0000, v7;
	v7 =	vshll.u32 v7, $0x10;
	v11 =	vld [tilespmem:s18+$0xFFFFF800]  }
0x59: {  	v6 =	vsel vm0, v6, v7;
	vm0 =	veq.s32 v12, $0x1;
	v7 =	vld [tilespmem:s17+$0xFFFFF800]  }
0x5a: {  	v5 =	vadd.f32 v6, v5;
	v6 =	vand.u32 $0xFFFF0000, v8;
	v8 =	vshll.u32 v8, $0x10;
	v12 =	vld [tilespmem:s18+$0xFFFFFA00]  }
0x5b: {  	v6 =	vsel vm0, v6, v8;
	vm0 =	veq.s32 v10, $0x1;
	v8 =	vld [tilespmem:s17+$0xFFFFFA00]  }
0x5c: {  	v5 =	vadd.f32 v6, v5;
	v6 =	vand.u32 $0xFFFF0000, v9;
	v9 =	vshll.u32 v9, $0x10;
	v10 =	vld [tilespmem:s18+$0xFFFFFC00]  }
0x5d: {  	v6 =	vsel vm0, v6, v9;
	vm0 =	veq.s32 v11, $0x1;
	v9 =	vld [tilespmem:s17+$0xFFFFFC00]  }
0x5e: {  	v5 =	vadd.f32 v6, v5;
	v6 =	vand.u32 $0xFFFF0000, v7;
	v7 =	vshll.u32 v7, $0x10;
	v11 =	vld [tilespmem:s18+$0xFFFFFE00]  }
0x5f: {  	v6 =	vsel vm0, v6, v7;
	vm0 =	veq.s32 v12, $0x1;
	v7 =	vld [tilespmem:s17+$0xFFFFFE00]  }
0x60: {  	v5 =	vadd.f32 v6, v5;
	v6 =	vand.u32 $0xFFFF0000, v8;
	v8 =	vshll.u32 v8, $0x10;
	v12 =	vld [tilespmem:s18+$0x0]  }
0x61: {  	v6 =	vsel vm0, v6, v8;
	vm0 =	veq.s32 v10, $0x1;
	v8 =	vld [tilespmem:s17+$0x0]  }
0x62: {  	v5 =	vadd.f32 v6, v5;
	v6 =	vand.u32 $0xFFFF0000, v9;
	v9 =	vshll.u32 v9, $0x10;
	v10 =	vld [tilespmem:s18+$0x200]  }
0x63: {  	v6 =	vsel vm0, v6, v9;
	vm0 =	veq.s32 v11, $0x1;
	v9 =	vld [tilespmem:s17+$0x200]  }
0x64: {  	v5 =	vadd.f32 v6, v5;
	v6 =	vand.u32 $0xFFFF0000, v7;
	v7 =	vshll.u32 v7, $0x10;
	v11 =	vld [tilespmem:s18+$0x400]  }
0x65: {  	v6 =	vsel vm0, v6, v7;
	vm0 =	veq.s32 v12, $0x1;
	v7 =	vld [tilespmem:s17+$0x400]  }
0x66: {  	v5 =	vadd.f32 v6, v5;
	v6 =	vand.u32 $0xFFFF0000, v8;
	v8 =	vshll.u32 v8, $0x10;
	v12 =	vld [tilespmem:s18+$0x600]  }
0x67: {  	v6 =	vsel vm0, v6, v8;
	vm0 =	veq.s32 v10, $0x1;
	v8 =	vld [tilespmem:s17+$0x600]  }
0x68: {  	v5 =	vadd.f32 v6, v5;
	v6 =	vand.u32 $0xFFFF0000, v9;
	v9 =	vshll.u32 v9, $0x10;
	v10 =	vld [tilespmem:s18+$0x800]  }
0x69: {  	v6 =	vsel vm0, v6, v9;
	vm0 =	veq.s32 v11, $0x1;
	v9 =	vld [tilespmem:s17+$0x800]  }
0x6a: {  	v5 =	vadd.f32 v6, v5;
	v6 =	vand.u32 $0xFFFF0000, v7;
	v7 =	vshll.u32 v7, $0x10;
	v11 =	vld [tilespmem:s18+$0xA00]  }
0x6b: {  	v6 =	vsel vm0, v6, v7;
	vm0 =	veq.s32 v12, $0x1;
	v7 =	vld [tilespmem:s17+$0xA00]  }
0x6c: {  	v5 =	vadd.f32 v6, v5;
	v6 =	vand.u32 $0xFFFF0000, v8;
	v8 =	vshll.u32 v8, $0x10;
	v12 =	vld [tilespmem:s18+$0xC00]  }
0x6d: {  	v6 =	vsel vm0, v6, v8;
	vm0 =	veq.s32 v10, $0x1;
	v8 =	vld [tilespmem:s17+$0xC00]  }
0x6e: {  	v5 =	vadd.f32 v6, v5;
	v6 =	vand.u32 $0xFFFF0000, v9;
	v9 =	vshll.u32 v9, $0x10;
	v10 =	vld [tilespmem:s18+$0xE00]  }
0x6f: {  	v6 =	vsel vm0, v6, v9;
	vm0 =	veq.s32 v11, $0x1;
	v9 =	vld [tilespmem:s17+$0xE00]  }
0x70: {  	v5 =	vadd.f32 v6, v5;
	v6 =	vand.u32 $0xFFFF0000, v7;
	v7 =	vshll.u32 v7, $0x10;
	v11 =	vld [tilespmem:s18+$0x1000]  }
0x71: {  	v6 =	vsel vm0, v6, v7;
	vm0 =	veq.s32 v12, $0x1;
	v7 =	vld [tilespmem:s17+$0x1000]  }
0x72: {  	v5 =	vadd.f32 v6, v5;
	v6 =	vand.u32 $0xFFFF0000, v8;
	v8 =	vshll.u32 v8, $0x10;
	v12 =	vld [tilespmem:s18+$0x1200]  }
0x73: {  	v6 =	vsel vm0, v6, v8;
	vm0 =	veq.s32 v10, $0x1;
	v8 =	vld [tilespmem:s17+$0x1200]  }
0x74: {  	v5 =	vadd.f32 v6, v5;
	v6 =	vand.u32 $0xFFFF0000, v9;
	v9 =	vshll.u32 v9, $0x10;
	v10 =	vld [tilespmem:s18+$0x1400]  }
0x75: {  	v6 =	vsel vm0, v6, v9;
	vm0 =	veq.s32 v11, $0x1;
	v9 =	vld [tilespmem:s17+$0x1400]  }
0x76: {  	v5 =	vadd.f32 v6, v5;
	v6 =	vand.u32 $0xFFFF0000, v7;
	v7 =	vshll.u32 v7, $0x10;
	v11 =	vld [tilespmem:s18+$0x1600]  }
0x77: {  	v6 =	vsel vm0, v6, v7;
	vm0 =	veq.s32 v12, $0x1;
	v7 =	vld [tilespmem:s17+$0x1600]  }
0x78: {  	v5 =	vadd.f32 v6, v5;
	v6 =	vand.u32 $0xFFFF0000, v8;
	v8 =	vshll.u32 v8, $0x10;
	v12 =	vld [tilespmem:s18+$0x1800]  }
0x79: {  	v6 =	vsel vm0, v6, v8;
	vm0 =	veq.s32 v10, $0x1;
	v8 =	vld [tilespmem:s17+$0x1800]  }
0x7a: {  	v5 =	vadd.f32 v6, v5;
	v6 =	vand.u32 $0xFFFF0000, v9;
	v9 =	vshll.u32 v9, $0x10  }
0x7b: {  	v6 =	vsel vm0, v6, v9;
	vm0 =	veq.s32 v11, $0x1  }
0x7c: {  	v5 =	vadd.f32 v6, v5;
	v6 =	vand.u32 $0xFFFF0000, v7;
	v7 =	vshll.u32 v7, $0x10  }
0x7d: {  	v6 =	vsel vm0, v6, v7;
	vm0 =	veq.s32 v12, $0x1  }
0x7e: {  	v5 =	vadd.f32 v6, v5;
	v6 =	vand.u32 $0xFFFF0000, v8;
	v7 =	vshll.u32 v8, $0x10  }
0x7f: {  	v6 =	vsel vm0, v6, v7  }
0x80: {  	v5 =	vadd.f32 v6, v5;
	_ =	sdelay $0x1  }
0x81: {  	v5 =	vadd.f32 v5, v4;
	_ =	sdelay $0x1  }
0x82: {  	v6 =	vsub.f32 $0.0e+00, v5;
	v5 =	vmul.f32 $1.442695020e+00, v5;
	_ =	sdelay $0x1  }
0x83: {  	v6 =	vmul.f32 $1.442695020e+00, v6;
	_ =	sdelay $0x1  }
0x84: {  	(erf) = vpow2.f32 v6  }
0x85: {  	(erf) = vpow2.f32 v5;
	_ =	sdelay $0x7  }
0x86: {  	v5 =	vpop (erf)  }
0x87: {  	v5 =	vadd.f32 $1.000000000e+00, v5;
	v6 =	vpop (erf)  }
0x88: {  	v6 =	vadd.f32 $1.000000000e+00, v6  }
0x89: {  	(erf) = vrcp.f32 v5  }
0x8a: {  	(erf) = vrcp.f32 v6;
	_ =	sdelay $0x1  }
0x8b: {  	v5 =	vmov s16;
	s16 =	smov.u32 s19  }
0x8c: {  	v5 =	vshll.u32 v5, $0x1  }
0x8d: {  	v5 =	vor.u32 v3, v5  }
0x8e: {  	v6 =	vor.u32 $0x1, v5;
	_ =	sdelay $0x2  }
0x8f: {  	v7 =	vpop (erf)  }
.Ltmp1:
0x90: {  	[tilespmem:v5+s14+$0x0] =	vst.idx.msk $0xffff, v7;
	v5 =	vpop (erf);
	(pc) =	sbr.rel @p0 .LBB2_4-.Ltmp1, $4  }
0x91: {  	s18 =	sadd.s32 $0x10, s18;
	[tilespmem:v6+s14+$0x0] =	vst.idx.msk $0xffff, v5  }
0x92: {  	s17 =	sadd.s32 $0x10, s17;
	v6 =	vld [tilespmem:s18+$0xFFFFE600]  }
0x93: {  	v7 =	vld [tilespmem:s17+$0xFFFFE600]  }
0x94: {  	s19 =	sadd.s32 $0x10, s19;
	v5 =	vld [tilespmem:s18+$0xFFFFE800]  }
0x95: {  	v8 =	vld [tilespmem:s17+$0xFFFFE800]  }
0x96: {  	v9 =	vld [tilespmem:s18+$0xFFFFEA00]  }
0x97: {  	v10 =	vld [tilespmem:s17+$0xFFFFEA00]  }
0x98: {  	v11 =	vld [tilespmem:s18+$0xFFFFEC00];
	vm0 =	veq.s32 v6, $0x1;
	v39 =	vand.u32 $0xFFFF0000, v7;
	v40 =	vshll.u32 v7, $0x10  }
0x99: {  	v6 =	vsel vm0, v39, v40;
	vm15 =	veq.s32 v5, $0x1;
	v5 =	vld [tilespmem:s17+$0xFFFFEC00]  }
0x9a: {  	v12 =	vld [tilespmem:s18+$0xFFFFEE00];
	v6 =	vadd.f32 $0.0e+00, v6;
	v41 =	vand.u32 $0xFFFF0000, v8;
	v8 =	vshll.u32 v8, $0x10  }
0x9b: {  	v42 =	vld [tilespmem:s17+$0xFFFFEE00];
	vm4 =	veq.s32 v9, $0x1;
	v7 =	vsel vm15, v41, v8  }
0x9c: {  	v45 =	vld [tilespmem:s18+$0xFFFFF000];
	v43 =	vand.u32 $0xFFFF0000, v10;
	v44 =	vshll.u32 v10, $0x10;
	v6 =	vadd.f32 v7, v6  }
0x9d: {  	v46 =	vld [tilespmem:s17+$0xFFFFF000];
	vm5 =	veq.s32 v11, $0x1;
	v7 =	vsel vm4, v43, v44  }
0x9e: {  	v48 =	vld [tilespmem:s18+$0xFFFFF200];
	v6 =	vadd.f32 v7, v6;
	v47 =	vand.u32 $0xFFFF0000, v5;
	v5 =	vshll.u32 v5, $0x10  }
0x9f: {  	v49 =	vld [tilespmem:s17+$0xFFFFF200];
	vm6 =	veq.s32 v12, $0x1;
	v5 =	vsel vm5, v47, v5  }
0xa0: {  	v51 =	vld [tilespmem:s18+$0xFFFFF400];
	v50 =	vand.u32 $0xFFFF0000, v42;
	v8 =	vshll.u32 v42, $0x10;
	v5 =	vadd.f32 v5, v6  }
0xa1: {  	v52 =	vld [tilespmem:s17+$0xFFFFF400];
	vm7 =	veq.s32 v45, $0x1;
	v6 =	vsel vm6, v50, v8  }
0xa2: {  	v54 =	vld [tilespmem:s18+$0xFFFFF600];
	v53 =	vand.u32 $0xFFFF0000, v46;
	v9 =	vshll.u32 v46, $0x10;
	v5 =	vadd.f32 v6, v5  }
0xa3: {  	v55 =	vld [tilespmem:s17+$0xFFFFF600];
	vm8 =	veq.s32 v48, $0x1;
	v6 =	vsel vm7, v53, v9  }
0xa4: {  	v57 =	vld [tilespmem:s18+$0xFFFFF800];
	v56 =	vand.u32 $0xFFFF0000, v49;
	v7 =	vshll.u32 v49, $0x10;
	v5 =	vadd.f32 v6, v5  }
0xa5: {  	v58 =	vld [tilespmem:s17+$0xFFFFF800];
	vm9 =	veq.s32 v51, $0x1;
	v6 =	vsel vm8, v56, v7  }
0xa6: {  	v60 =	vld [tilespmem:s18+$0xFFFFFA00];
	v59 =	vand.u32 $0xFFFF0000, v52;
	v8 =	vshll.u32 v52, $0x10;
	v5 =	vadd.f32 v6, v5  }
0xa7: {  	v61 =	vld [tilespmem:s17+$0xFFFFFA00];
	vm10 =	veq.s32 v54, $0x1;
	v6 =	vsel vm9, v59, v8  }
0xa8: {  	v63 =	vld [tilespmem:s18+$0xFFFFFC00];
	v62 =	vand.u32 $0xFFFF0000, v55;
	v9 =	vshll.u32 v55, $0x10;
	v5 =	vadd.f32 v6, v5  }
0xa9: {  	v16 =	vld [tilespmem:s17+$0xFFFFFC00];
	vm11 =	veq.s32 v57, $0x1;
	v6 =	vsel vm10, v62, v9  }
0xaa: {  	v18 =	vld [tilespmem:s18+$0xFFFFFE00];
	v17 =	vand.u32 $0xFFFF0000, v58;
	v7 =	vshll.u32 v58, $0x10;
	v5 =	vadd.f32 v6, v5  }
0xab: {  	v19 =	vld [tilespmem:s17+$0xFFFFFE00];
	vm12 =	veq.s32 v60, $0x1;
	v6 =	vsel vm11, v17, v7  }
0xac: {  	v22 =	vld [tilespmem:s17+$0x0];
	v20 =	vand.u32 $0xFFFF0000, v61;
	v8 =	vshll.u32 v61, $0x10;
	v5 =	vadd.f32 v6, v5  }
0xad: {  	v21 =	vld [tilespmem:s18+$0x0];
	vm13 =	veq.s32 v63, $0x1;
	v6 =	vsel vm12, v20, v8  }
0xae: {  	v25 =	vld [tilespmem:s17+$0x200];
	v23 =	vand.u32 $0xFFFF0000, v16;
	v9 =	vshll.u32 v16, $0x10;
	v5 =	vadd.f32 v6, v5  }
0xaf: {  	v24 =	vld [tilespmem:s18+$0x200];
	vm14 =	veq.s32 v18, $0x1;
	v6 =	vsel vm13, v23, v9  }
0xb0: {  	v28 =	vld [tilespmem:s17+$0x400];
	v26 =	vand.u32 $0xFFFF0000, v19;
	v7 =	vshll.u32 v19, $0x10;
	v5 =	vadd.f32 v6, v5  }
0xb1: {  	v27 =	vld [tilespmem:s18+$0x400];
	v29 =	vand.u32 $0xFFFF0000, v22;
	v6 =	vsel vm14, v26, v7  }
0xb2: {  	v31 =	vld [tilespmem:s17+$0x600];
	vm15 =	veq.s32 v21, $0x1;
	v8 =	vshll.u32 v22, $0x10;
	v5 =	vadd.f32 v6, v5  }
0xb3: {  	v30 =	vld [tilespmem:s18+$0x600];
	v32 =	vand.u32 $0xFFFF0000, v25;
	v6 =	vsel vm15, v29, v8  }
0xb4: {  	v34 =	vld [tilespmem:s17+$0x800];
	vm4 =	veq.s32 v24, $0x1;
	v9 =	vshll.u32 v25, $0x10;
	v5 =	vadd.f32 v6, v5  }
0xb5: {  	v33 =	vld [tilespmem:s18+$0x800];
	v35 =	vand.u32 $0xFFFF0000, v28;
	v6 =	vsel vm4, v32, v9  }
0xb6: {  	v37 =	vld [tilespmem:s17+$0xA00];
	vm5 =	veq.s32 v27, $0x1;
	v7 =	vshll.u32 v28, $0x10;
	v5 =	vadd.f32 v6, v5  }
0xb7: {  	v36 =	vld [tilespmem:s18+$0xA00];
	v38 =	vand.u32 $0xFFFF0000, v31;
	v6 =	vsel vm5, v35, v7  }
0xb8: {  	v40 =	vld [tilespmem:s17+$0xC00];
	vm6 =	veq.s32 v30, $0x1;
	v8 =	vshll.u32 v31, $0x10;
	v5 =	vadd.f32 v6, v5  }
0xb9: {  	v39 =	vld [tilespmem:s18+$0xC00];
	v41 =	vand.u32 $0xFFFF0000, v34;
	v6 =	vsel vm6, v38, v8  }
0xba: {  	v43 =	vld [tilespmem:s17+$0xE00];
	vm7 =	veq.s32 v33, $0x1;
	v9 =	vshll.u32 v34, $0x10;
	v5 =	vadd.f32 v6, v5  }
0xbb: {  	v42 =	vld [tilespmem:s18+$0xE00];
	v44 =	vand.u32 $0xFFFF0000, v37;
	v6 =	vsel vm7, v41, v9  }
0xbc: {  	v46 =	vld [tilespmem:s17+$0x1000];
	vm8 =	veq.s32 v36, $0x1;
	v7 =	vshll.u32 v37, $0x10;
	v5 =	vadd.f32 v6, v5  }
0xbd: {  	v45 =	vld [tilespmem:s18+$0x1000];
	v47 =	vand.u32 $0xFFFF0000, v40;
	v6 =	vsel vm8, v44, v7  }
0xbe: {  	v49 =	vld [tilespmem:s17+$0x1200];
	vm9 =	veq.s32 v39, $0x1;
	v8 =	vshll.u32 v40, $0x10;
	v5 =	vadd.f32 v6, v5  }
0xbf: {  	v48 =	vld [tilespmem:s18+$0x1200];
	v50 =	vand.u32 $0xFFFF0000, v43;
	v6 =	vsel vm9, v47, v8  }
0xc0: {  	v52 =	vld [tilespmem:s17+$0x1400];
	vm10 =	veq.s32 v42, $0x1;
	v9 =	vshll.u32 v43, $0x10;
	v5 =	vadd.f32 v6, v5  }
0xc1: {  	v51 =	vld [tilespmem:s18+$0x1400];
	v53 =	vand.u32 $0xFFFF0000, v46;
	v6 =	vsel vm10, v50, v9  }
0xc2: {  	v55 =	vld [tilespmem:s17+$0x1600];
	vm11 =	veq.s32 v45, $0x1;
	v7 =	vshll.u32 v46, $0x10;
	v5 =	vadd.f32 v6, v5  }
0xc3: {  	v54 =	vld [tilespmem:s18+$0x1600];
	v56 =	vand.u32 $0xFFFF0000, v49;
	v6 =	vsel vm11, v53, v7  }
0xc4: {  	v58 =	vld [tilespmem:s17+$0x1800];
	vm12 =	veq.s32 v48, $0x1;
	v8 =	vshll.u32 v49, $0x10;
	v5 =	vadd.f32 v6, v5  }
0xc5: {  	v57 =	vld [tilespmem:s18+$0x1800];
	v59 =	vand.u32 $0xFFFF0000, v52;
	v6 =	vsel vm12, v56, v8  }
0xc6: {  	vm13 =	veq.s32 v51, $0x1;
	v9 =	vshll.u32 v52, $0x10;
	v5 =	vadd.f32 v6, v5  }
0xc7: {  	v60 =	vand.u32 $0xFFFF0000, v55;
	v6 =	vsel vm13, v59, v9  }
0xc8: {  	vm14 =	veq.s32 v54, $0x1;
	v7 =	vshll.u32 v55, $0x10;
	v5 =	vadd.f32 v6, v5  }
0xc9: {  	v61 =	vand.u32 $0xFFFF0000, v58;
	v6 =	vsel vm14, v60, v7  }
0xca: {  	v62 =	vshll.u32 v58, $0x10;
	vm15 =	veq.s32 v57, $0x1;
	v5 =	vadd.f32 v6, v5  }
0xcb: {  	v6 =	vsel vm15, v61, v62  }
0xcc: {  	v5 =	vadd.f32 v6, v5;
	_ =	sdelay $0x1  }
0xcd: {  	v4 =	vadd.f32 v5, v4;
	_ =	sdelay $0x1  }
0xce: {  	v5 =	vsub.f32 $0.0e+00, v4;
	_ =	sdelay $0x1  }
0xcf: {  	v5 =	vmul.f32 $1.442695020e+00, v5  }
0xd0: {  	v4 =	vmul.f32 $1.442695020e+00, v4  }
0xd1: {  	(erf) = vpow2.f32 v5  }
0xd2: {  	(erf) = vpow2.f32 v4;
	_ =	sdelay $0x7  }
0xd3: {  	v4 =	vpop (erf)  }
0xd4: {  	v4 =	vadd.f32 $1.000000000e+00, v4;
	v5 =	vpop (erf)  }
0xd5: {  	v5 =	vadd.f32 $1.000000000e+00, v5  }
0xd6: {  	(erf) = vrcp.f32 v4  }
0xd7: {  	(erf) = vrcp.f32 v5;
	_ =	sdelay $0x1  }
0xd8: {  	v4 =	vmov s16  }
0xd9: {  	v4 =	vshll.u32 v4, $0x1  }
0xda: {  	v4 =	vor.u32 v3, v4  }
0xdb: {  	v5 =	vor.u32 $0x1, v4;
	_ =	sdelay $0x2  }
0xdc: {  	s15 =	sadd.s32 $0x1, s15;
	v63 =	vpop (erf)  }
0xdd: {  	p0 =	sne.s32 s15, s7;
	[tilespmem:v4+s14+$0x0] =	vst.idx.msk $0xffff, v63;
	v4 =	vpop (erf)  }
.Ltmp2:
0xde: {  	[tilespmem:v5+s14+$0x0] =	vst.idx.msk $0xffff, v4;
	(pc) =	sbr.rel @p0 .LBB2_1-.Ltmp2, $4  }
0xdf: {  	[hbm4b:s6+s2] =	stream.linear.scatter [tilespmem:s14], [sflag:$0x2], $0x400, $0x38;
	[tilespmem:$0xD410] =	vst v63  }
0xe0: {  	_ =	swait.ge [sflag:s8], $0x400  }
0xe1: {  	[sflag:s8] =	ssyncset.done $0x0  }
0xe2: {  	[sflag:s8] =	ssyncadd.s32 $0xFFFFFC00  }
0xe3: {  	_ =	sfence.sel $0x180000  }
0xe4: {  	[bflag:$0x0] =	sbarrier.arrive $0xFFFF  }
0xe5: {  	p0 =	sne.s32 s0, $0x0;
	_ =	strace $0x90000047  }
0xe6: {  	s0 =	sadd.s32 @!p0 $0x100000, s1;
	[bflag:$0x2] =	sbarrier.arrive $0xFFFF  }
0xe7: {  	[sflag:s0] =	ssyncadd.tile.s32 @!p0 $0x1;
	_ =	shalt  }
.Lfunc_end2:
_tile_overlayer_lowered:
.L_overlay_start_2:
0xe8: {  	(tag) =	ssettag $0x2  }
0xe9: {  	s0 =	rddreg [dreg:$0x0];
	s2 =	stileid.u32  }
0xea: {  	s1 =	rddreg [dreg:$0x1];
	p0 =	sne.s32 s2, $0x0  }
0xeb: {  	s3 =	rddreg [dreg:$0x2];
	[bflag:$0x3] =	sbarrier.arrive $0xFFFF;
	s2 =	simm.s32 @!p0 $0x1C02  }
0xec: {  	[timem:s3], [sflag:s2] =	dma.local @!p0 [hbm:s0], s1  }
0xed: {  	s0 =	simm.s32 @!p0 $0x2  }
0xee: {  	_ =	swait.ge @!p0 [sflag:s0], s1  }
0xef: {  	s1 =	ssub.s32 @!p0 $0x0, s1;
	[sflag:s0] =	ssyncset.done @!p0 $0x0  }
0xf0: {  	[sflag:s0] =	ssyncadd.s32 @!p0 s1  }
0xf1: {  	[bflag:$0x3] =	sbarrier.arrive $0xFFFF  }
0xf2: {  	_ =	shalt  }

</sc_bundles>
